<compile_context>
chip_gen: v7x
topology: tpu7x:2x2x1
jax: 0.10.2.dev20260603
libtpu: 0.0.44.dev20260713+nightly
codegen_flags: <defaults>
</compile_context>

<pallas_src>
import jax
import jax.numpy as jnp
from jax import lax
from jax.experimental import pallas as pl
from jax.experimental.pallas import tpu as pltpu
from jax.experimental.pallas import tpu_sc as plsc

BATCH = 4096
HIST = 200
D = 128
B = BATCH * HIST

NC = 2
NS = 16
NW = NC * NS
BPW = B // NW
CH = 128
NCH = BPW // CH
NBUF = 5
NG = NCH // NBUF


def _body(idx_hbm, table_hbm, out_hbm, idx_v, rows_v, gsem, ssem):
    c = lax.axis_index("c")
    s = lax.axis_index("s")
    wid = s * NC + c
    chunk0 = wid * NCH

    pltpu.sync_copy(idx_hbm.at[pl.ds(chunk0, NCH)], idx_v)

    def start_gather(j, b):
        pltpu.async_copy(table_hbm.at[idx_v.at[j]], rows_v.at[b], gsem.at[b])

    def wait_gather(b):
        pltpu.make_async_copy(table_hbm.at[idx_v.at[0]], rows_v.at[b],
                              gsem.at[b]).wait()

    def start_scatter(j, b):
        row0 = (chunk0 + j) * CH
        pltpu.async_copy(rows_v.at[b], out_hbm.at[pl.ds(row0, CH)], ssem.at[b])

    def wait_scatter(b):
        pltpu.make_async_copy(rows_v.at[b], out_hbm.at[pl.ds(0, CH)],
                              ssem.at[b]).wait()

    for b in range(NBUF):
        start_gather(b, b)

    def group(g, carry):
        for b in range(NBUF):
            wait_gather(b)
            start_scatter(g * NBUF + b, b)
        for b in range(NBUF):
            wait_scatter(b)
            start_gather((g + 1) * NBUF + b, b)
        return carry

    lax.fori_loop(0, NG - 1, group, 0)

    for b in range(NBUF):
        j = (NG - 1) * NBUF + b
        wait_gather(b)
        start_scatter(j, b)
    for b in range(NBUF):
        wait_scatter(b)


@jax.jit
def _gather(idx2d, W):
    mesh = plsc.VectorSubcoreMesh(core_axis_name="c", subcore_axis_name="s")
    fn = pl.kernel(
        _body,
        out_type=jax.ShapeDtypeStruct((B, D), jnp.float32),
        mesh=mesh,
        scratch_types=[
            pltpu.VMEM((NCH, CH), jnp.int32),
            pltpu.VMEM((NBUF, CH, D), jnp.float32),
            pltpu.SemaphoreType.DMA((NBUF,)),
            pltpu.SemaphoreType.DMA((NBUF,)),
        ],
    )
    return fn(idx2d, W)


def kernel(indices, W):
    idx2d = indices.astype(jnp.int32).reshape(B // CH, CH)
    out = _gather(idx2d, W)
    return out.reshape(BATCH, HIST, D)

# --- scband reference (transcript-rebuilt; emitter-appended) ---
"""Pipeline reference for scband-base-model-65395172049265 (READ-ONLY COPY).

The authoritative reference and input builder live on the scoring server;
editing this copy changes nothing except your own understanding.
"""

import jax, jax.numpy as jnp
import numpy as np

VOCAB = 100000
EMBED_DIM = 128
BATCH = 4096
HIST = 200

def setup_inputs(seed: int = 0) -> dict:
    key = jax.random.key(seed)
    k1, k2 = jax.random.split(key)
    indices = jax.random.randint(k1, (BATCH, HIST), 0, VOCAB, dtype=jnp.int64 if jax.config.jax_enable_x64 else jnp.int32)
    # nn.Embedding(vocab_size + 2, embed_size, padding_idx=0)
    W = jax.random.normal(k2, (VOCAB + 2, EMBED_DIM), dtype=jnp.float32) * 0.02
    W = W.at[0].set(0.0)  # padding_idx=0 row is zero
    return {"indices": indices, "W": W}

def reference(indices, W):
    # BaseModel forward path: self.embed(indices) followed by dropout (identity at eval)
    emb = jnp.take(W, indices, axis=0)
    return emb

if __name__ == "__main__":
    import jax
    _d = setup_inputs()
    print(jax.jit(kernel)(*tuple(_d.values())))

</pallas_src>

<mosaic_0001>
#map = affine_map<(d0, d1) -> (0, 0)>
module attributes {stable_mosaic.version = 14 : i64} {
  func.func @_body(%arg0: i32, %arg1: i32, %arg2: memref<6400x128xi32, #tpu.memory_space<hbm>>, %arg3: memref<100002x128xf32, #tpu.memory_space<hbm>>, %arg4: memref<819200x128xf32, #tpu.memory_space<hbm>>, %arg5: memref<200x128xi32, #tpu.memory_space<vmem>>, %arg6: memref<5x128x128xf32, #tpu.memory_space<vmem>>, %arg7: memref<5x!tpu.dma_semaphore, #tpu.memory_space<semaphore_mem>>, %arg8: memref<5x!tpu.dma_semaphore, #tpu.memory_space<semaphore_mem>>) attributes {dimension_semantics = [#tpu.dimension_semantics<core_parallel>, #tpu.dimension_semantics<subcore_parallel>], iteration_bounds = array<i64: 2, 16>, scalar_prefetch = 0 : i64, scratch_operands = 4 : i64, tpu.core_type = #tpu.core_type<sc_vector_subcore>, window_params = [{transform_indices = #map}, {transform_indices = #map}, {transform_indices = #map}]} {
    %mul3A = arith.constant 2 : i32
    %mul3A_0 = arith.muli %arg1, %mul3A : i32
    %add3A = arith.addi %mul3A_0, %arg0 : i32
    %mul3A_1 = arith.constant 200 : i32
    %mul3A_2 = arith.muli %add3A, %mul3A_1 : i32
    "tpu.region"() ({
      %run_scoped3A = tpu.sem_alloc : memref<!tpu.dma_semaphore, #tpu.memory_space<semaphore_mem>>
      %dma_start3A_346 = arith.constant 0 : i32
      %dma_start3A_347 = tpu.memref_slice %arg2[%mul3A_2, %dma_start3A_346] : memref<6400x128xi32, #tpu.memory_space<hbm>> -> memref<200x128xi32, #tpu.memory_space<hbm>>
      %dma_start3A_348 = arith.constant 0 : i32
      %dma_start3A_349 = tpu.memref_slice %arg2[%mul3A_2, %dma_start3A_348] : memref<6400x128xi32, #tpu.memory_space<hbm>> -> memref<200x128xi32, #tpu.memory_space<hbm>>
      tpu.enqueue_dma source(%dma_start3A_349 : memref<200x128xi32, #tpu.memory_space<hbm>>) target(%arg5 : memref<200x128xi32, #tpu.memory_space<vmem>>) target_semaphore(%run_scoped3A : memref<!tpu.dma_semaphore, #tpu.memory_space<semaphore_mem>>)
      %dma_wait3A_350 = arith.constant 0 : i32
      %dma_wait3A_351 = tpu.memref_slice %arg2[%mul3A_2, %dma_wait3A_350] : memref<6400x128xi32, #tpu.memory_space<hbm>> -> memref<200x128xi32, #tpu.memory_space<hbm>>
      %dma_wait3A_352 = arith.constant 0 : i32
      %dma_wait3A_353 = tpu.memref_slice %arg2[%mul3A_2, %dma_wait3A_352] : memref<6400x128xi32, #tpu.memory_space<hbm>> -> memref<200x128xi32, #tpu.memory_space<hbm>>
      tpu.wait_dma2 semaphore(%run_scoped3A : memref<!tpu.dma_semaphore, #tpu.memory_space<semaphore_mem>>) src(%dma_wait3A_353 : memref<200x128xi32, #tpu.memory_space<hbm>>) dst(%arg5 : memref<200x128xi32, #tpu.memory_space<vmem>>)
      tpu.yield
    }) : () -> ()
    %dma_start3A = arith.constant 0 : i32
    %dma_start3A_3 = arith.constant 0 : i32
    %dma_start3A_4 = arith.constant 0 : i32
    %dma_start3A_5 = arith.constant 0 : i32
    %dma_start3A_6 = arith.constant 0 : i32
    %dma_start3A_7 = tpu.memref_slice %arg6[%dma_start3A_3, %dma_start3A_5, %dma_start3A_6] : memref<5x128x128xf32, #tpu.memory_space<vmem>> -> memref<1x128x128xf32, #tpu.memory_space<vmem>>
    %dma_start3A_8 = tpu.memref_squeeze %dma_start3A_7 : memref<1x128x128xf32, #tpu.memory_space<vmem>> -> memref<128x128xf32, #tpu.memory_space<vmem>>
    %dma_start3A_9 = arith.constant 0 : i32
    %dma_start3A_10 = tpu.memref_slice %arg5[%dma_start3A, %dma_start3A_9] : memref<200x128xi32, #tpu.memory_space<vmem>> -> memref<1x128xi32, #tpu.memory_space<vmem>>
    %dma_start3A_11 = tpu.memref_squeeze %dma_start3A_10 : memref<1x128xi32, #tpu.memory_space<vmem>> -> memref<128xi32, #tpu.memory_space<vmem>>
    %dma_start3A_12 = arith.constant 0 : i32
    %dma_start3A_13 = arith.constant 0 : i32
    %dma_start3A_14 = tpu.memref_slice %arg3[%dma_start3A_12, %dma_start3A_13] : memref<100002x128xf32, #tpu.memory_space<hbm>> -> memref<100002x128xf32, #tpu.memory_space<hbm>>
    %dma_start3A_15 = tpu.memref_slice %arg7[%dma_start3A_4] : memref<5x!tpu.dma_semaphore, #tpu.memory_space<semaphore_mem>> -> memref<1x!tpu.dma_semaphore, #tpu.memory_space<semaphore_mem>>
    %dma_start3A_16 = tpu.memref_squeeze %dma_start3A_15 : memref<1x!tpu.dma_semaphore, #tpu.memory_space<semaphore_mem>> -> memref<!tpu.dma_semaphore, #tpu.memory_space<semaphore_mem>>
    tpu.enqueue_indirect_dma source(%dma_start3A_14 : memref<100002x128xf32, #tpu.memory_space<hbm>>) target(%dma_start3A_8 : memref<128x128xf32, #tpu.memory_space<vmem>>) offsets(%dma_start3A_11 : memref<128xi32, #tpu.memory_space<vmem>>) semaphore(%dma_start3A_16 : memref<!tpu.dma_semaphore, #tpu.memory_space<semaphore_mem>>)
    %dma_start3A_17 = arith.constant 1 : i32
    %dma_start3A_18 = arith.constant 1 : i32
    %dma_start3A_19 = arith.constant 1 : i32
    %dma_start3A_20 = arith.constant 0 : i32
    %dma_start3A_21 = arith.constant 0 : i32
    %dma_start3A_22 = tpu.memref_slice %arg6[%dma_start3A_18, %dma_start3A_20, %dma_start3A_21] : memref<5x128x128xf32, #tpu.memory_space<vmem>> -> memref<1x128x128xf32, #tpu.memory_space<vmem>>
    %dma_start3A_23 = tpu.memref_squeeze %dma_start3A_22 : memref<1x128x128xf32, #tpu.memory_space<vmem>> -> memref<128x128xf32, #tpu.memory_space<vmem>>
    %dma_start3A_24 = arith.constant 0 : i32
    %dma_start3A_25 = tpu.memref_slice %arg5[%dma_start3A_17, %dma_start3A_24] : memref<200x128xi32, #tpu.memory_space<vmem>> -> memref<1x128xi32, #tpu.memory_space<vmem>>
    %dma_start3A_26 = tpu.memref_squeeze %dma_start3A_25 : memref<1x128xi32, #tpu.memory_space<vmem>> -> memref<128xi32, #tpu.memory_space<vmem>>
    %dma_start3A_27 = arith.constant 0 : i32
    %dma_start3A_28 = arith.constant 0 : i32
    %dma_start3A_29 = tpu.memref_slice %arg3[%dma_start3A_27, %dma_start3A_28] : memref<100002x128xf32, #tpu.memory_space<hbm>> -> memref<100002x128xf32, #tpu.memory_space<hbm>>
    %dma_start3A_30 = tpu.memref_slice %arg7[%dma_start3A_19] : memref<5x!tpu.dma_semaphore, #tpu.memory_space<semaphore_mem>> -> memref<1x!tpu.dma_semaphore, #tpu.memory_space<semaphore_mem>>
    %dma_start3A_31 = tpu.memref_squeeze %dma_start3A_30 : memref<1x!tpu.dma_semaphore, #tpu.memory_space<semaphore_mem>> -> memref<!tpu.dma_semaphore, #tpu.memory_space<semaphore_mem>>
    tpu.enqueue_indirect_dma source(%dma_start3A_29 : memref<100002x128xf32, #tpu.memory_space<hbm>>) target(%dma_start3A_23 : memref<128x128xf32, #tpu.memory_space<vmem>>) offsets(%dma_start3A_26 : memref<128xi32, #tpu.memory_space<vmem>>) semaphore(%dma_start3A_31 : memref<!tpu.dma_semaphore, #tpu.memory_space<semaphore_mem>>)
    %dma_start3A_32 = arith.constant 2 : i32
    %dma_start3A_33 = arith.constant 2 : i32
    %dma_start3A_34 = arith.constant 2 : i32
    %dma_start3A_35 = arith.constant 0 : i32
    %dma_start3A_36 = arith.constant 0 : i32
    %dma_start3A_37 = tpu.memref_slice %arg6[%dma_start3A_33, %dma_start3A_35, %dma_start3A_36] : memref<5x128x128xf32, #tpu.memory_space<vmem>> -> memref<1x128x128xf32, #tpu.memory_space<vmem>>
    %dma_start3A_38 = tpu.memref_squeeze %dma_start3A_37 : memref<1x128x128xf32, #tpu.memory_space<vmem>> -> memref<128x128xf32, #tpu.memory_space<vmem>>
    %dma_start3A_39 = arith.constant 0 : i32
    %dma_start3A_40 = tpu.memref_slice %arg5[%dma_start3A_32, %dma_start3A_39] : memref<200x128xi32, #tpu.memory_space<vmem>> -> memref<1x128xi32, #tpu.memory_space<vmem>>
    %dma_start3A_41 = tpu.memref_squeeze %dma_start3A_40 : memref<1x128xi32, #tpu.memory_space<vmem>> -> memref<128xi32, #tpu.memory_space<vmem>>
    %dma_start3A_42 = arith.constant 0 : i32
    %dma_start3A_43 = arith.constant 0 : i32
    %dma_start3A_44 = tpu.memref_slice %arg3[%dma_start3A_42, %dma_start3A_43] : memref<100002x128xf32, #tpu.memory_space<hbm>> -> memref<100002x128xf32, #tpu.memory_space<hbm>>
    %dma_start3A_45 = tpu.memref_slice %arg7[%dma_start3A_34] : memref<5x!tpu.dma_semaphore, #tpu.memory_space<semaphore_mem>> -> memref<1x!tpu.dma_semaphore, #tpu.memory_space<semaphore_mem>>
    %dma_start3A_46 = tpu.memref_squeeze %dma_start3A_45 : memref<1x!tpu.dma_semaphore, #tpu.memory_space<semaphore_mem>> -> memref<!tpu.dma_semaphore, #tpu.memory_space<semaphore_mem>>
    tpu.enqueue_indirect_dma source(%dma_start3A_44 : memref<100002x128xf32, #tpu.memory_space<hbm>>) target(%dma_start3A_38 : memref<128x128xf32, #tpu.memory_space<vmem>>) offsets(%dma_start3A_41 : memref<128xi32, #tpu.memory_space<vmem>>) semaphore(%dma_start3A_46 : memref<!tpu.dma_semaphore, #tpu.memory_space<semaphore_mem>>)
    %dma_start3A_47 = arith.constant 3 : i32
    %dma_start3A_48 = arith.constant 3 : i32
    %dma_start3A_49 = arith.constant 3 : i32
    %dma_start3A_50 = arith.constant 0 : i32
    %dma_start3A_51 = arith.constant 0 : i32
    %dma_start3A_52 = tpu.memref_slice %arg6[%dma_start3A_48, %dma_start3A_50, %dma_start3A_51] : memref<5x128x128xf32, #tpu.memory_space<vmem>> -> memref<1x128x128xf32, #tpu.memory_space<vmem>>
    %dma_start3A_53 = tpu.memref_squeeze %dma_start3A_52 : memref<1x128x128xf32, #tpu.memory_space<vmem>> -> memref<128x128xf32, #tpu.memory_space<vmem>>
    %dma_start3A_54 = arith.constant 0 : i32
    %dma_start3A_55 = tpu.memref_slice %arg5[%dma_start3A_47, %dma_start3A_54] : memref<200x128xi32, #tpu.memory_space<vmem>> -> memref<1x128xi32, #tpu.memory_space<vmem>>
    %dma_start3A_56 = tpu.memref_squeeze %dma_start3A_55 : memref<1x128xi32, #tpu.memory_space<vmem>> -> memref<128xi32, #tpu.memory_space<vmem>>
    %dma_start3A_57 = arith.constant 0 : i32
    %dma_start3A_58 = arith.constant 0 : i32
    %dma_start3A_59 = tpu.memref_slice %arg3[%dma_start3A_57, %dma_start3A_58] : memref<100002x128xf32, #tpu.memory_space<hbm>> -> memref<100002x128xf32, #tpu.memory_space<hbm>>
    %dma_start3A_60 = tpu.memref_slice %arg7[%dma_start3A_49] : memref<5x!tpu.dma_semaphore, #tpu.memory_space<semaphore_mem>> -> memref<1x!tpu.dma_semaphore, #tpu.memory_space<semaphore_mem>>
    %dma_start3A_61 = tpu.memref_squeeze %dma_start3A_60 : memref<1x!tpu.dma_semaphore, #tpu.memory_space<semaphore_mem>> -> memref<!tpu.dma_semaphore, #tpu.memory_space<semaphore_mem>>
    tpu.enqueue_indirect_dma source(%dma_start3A_59 : memref<100002x128xf32, #tpu.memory_space<hbm>>) target(%dma_start3A_53 : memref<128x128xf32, #tpu.memory_space<vmem>>) offsets(%dma_start3A_56 : memref<128xi32, #tpu.memory_space<vmem>>) semaphore(%dma_start3A_61 : memref<!tpu.dma_semaphore, #tpu.memory_space<semaphore_mem>>)
    %dma_start3A_62 = arith.constant 4 : i32
    %dma_start3A_63 = arith.constant 4 : i32
    %dma_start3A_64 = arith.constant 4 : i32
    %dma_start3A_65 = arith.constant 0 : i32
    %dma_start3A_66 = arith.constant 0 : i32
    %dma_start3A_67 = tpu.memref_slice %arg6[%dma_start3A_63, %dma_start3A_65, %dma_start3A_66] : memref<5x128x128xf32, #tpu.memory_space<vmem>> -> memref<1x128x128xf32, #tpu.memory_space<vmem>>
    %dma_start3A_68 = tpu.memref_squeeze %dma_start3A_67 : memref<1x128x128xf32, #tpu.memory_space<vmem>> -> memref<128x128xf32, #tpu.memory_space<vmem>>
    %dma_start3A_69 = arith.constant 0 : i32
    %dma_start3A_70 = tpu.memref_slice %arg5[%dma_start3A_62, %dma_start3A_69] : memref<200x128xi32, #tpu.memory_space<vmem>> -> memref<1x128xi32, #tpu.memory_space<vmem>>
    %dma_start3A_71 = tpu.memref_squeeze %dma_start3A_70 : memref<1x128xi32, #tpu.memory_space<vmem>> -> memref<128xi32, #tpu.memory_space<vmem>>
    %dma_start3A_72 = arith.constant 0 : i32
    %dma_start3A_73 = arith.constant 0 : i32
    %dma_start3A_74 = tpu.memref_slice %arg3[%dma_start3A_72, %dma_start3A_73] : memref<100002x128xf32, #tpu.memory_space<hbm>> -> memref<100002x128xf32, #tpu.memory_space<hbm>>
    %dma_start3A_75 = tpu.memref_slice %arg7[%dma_start3A_64] : memref<5x!tpu.dma_semaphore, #tpu.memory_space<semaphore_mem>> -> memref<1x!tpu.dma_semaphore, #tpu.memory_space<semaphore_mem>>
    %dma_start3A_76 = tpu.memref_squeeze %dma_start3A_75 : memref<1x!tpu.dma_semaphore, #tpu.memory_space<semaphore_mem>> -> memref<!tpu.dma_semaphore, #tpu.memory_space<semaphore_mem>>
    tpu.enqueue_indirect_dma source(%dma_start3A_74 : memref<100002x128xf32, #tpu.memory_space<hbm>>) target(%dma_start3A_68 : memref<128x128xf32, #tpu.memory_space<vmem>>) offsets(%dma_start3A_71 : memref<128xi32, #tpu.memory_space<vmem>>) semaphore(%dma_start3A_76 : memref<!tpu.dma_semaphore, #tpu.memory_space<semaphore_mem>>)
    %scan3A = arith.constant 0 : i32
    %scan3A_77 = arith.constant 0 : i32
    %scan3A_78 = arith.constant 39 : i32
    %scan3A_79 = arith.addi %scan3A_77, %scan3A_78 : i32
    %scan3A_80 = arith.constant 1 : i32
    scf.for %scan3A_346 = %scan3A_77 to %scan3A_79 step %scan3A_80  : i32 {
      %dma_wait3A_347 = arith.constant 0 : i32
      %dma_wait3A_348 = arith.constant 0 : i32
      %dma_wait3A_349 = arith.constant 0 : i32
      %dma_wait3A_350 = arith.constant 0 : i32
      %dma_wait3A_351 = arith.constant 0 : i32
      %dma_wait3A_352 = tpu.memref_slice %arg6[%dma_wait3A_348, %dma_wait3A_350, %dma_wait3A_351] : memref<5x128x128xf32, #tpu.memory_space<vmem>> -> memref<1x128x128xf32, #tpu.memory_space<vmem>>
      %dma_wait3A_353 = tpu.memref_squeeze %dma_wait3A_352 : memref<1x128x128xf32, #tpu.memory_space<vmem>> -> memref<128x128xf32, #tpu.memory_space<vmem>>
      %dma_wait3A_354 = arith.constant 0 : i32
      %dma_wait3A_355 = tpu.memref_slice %arg5[%dma_wait3A_347, %dma_wait3A_354] : memref<200x128xi32, #tpu.memory_space<vmem>> -> memref<1x128xi32, #tpu.memory_space<vmem>>
      %dma_wait3A_356 = tpu.memref_squeeze %dma_wait3A_355 : memref<1x128xi32, #tpu.memory_space<vmem>> -> memref<128xi32, #tpu.memory_space<vmem>>
      %dma_wait3A_357 = arith.constant 0 : i32
      %dma_wait3A_358 = arith.constant 0 : i32
      %dma_wait3A_359 = tpu.memref_slice %arg3[%dma_wait3A_357, %dma_wait3A_358] : memref<100002x128xf32, #tpu.memory_space<hbm>> -> memref<100002x128xf32, #tpu.memory_space<hbm>>
      %dma_wait3A_360 = tpu.memref_slice %arg7[%dma_wait3A_349] : memref<5x!tpu.dma_semaphore, #tpu.memory_space<semaphore_mem>> -> memref<1x!tpu.dma_semaphore, #tpu.memory_space<semaphore_mem>>
      %dma_wait3A_361 = tpu.memref_squeeze %dma_wait3A_360 : memref<1x!tpu.dma_semaphore, #tpu.memory_space<semaphore_mem>> -> memref<!tpu.dma_semaphore, #tpu.memory_space<semaphore_mem>>
      tpu.wait_indirect_dma semaphore(%dma_wait3A_361 : memref<!tpu.dma_semaphore, #tpu.memory_space<semaphore_mem>>) src(%dma_wait3A_359 : memref<100002x128xf32, #tpu.memory_space<hbm>>) dst(%dma_wait3A_353 : memref<128x128xf32, #tpu.memory_space<vmem>>)
      %mul3A_362 = arith.constant 5 : i32
      %mul3A_363 = arith.muli %scan3A_346, %mul3A_362 : i32
      %add3A_364 = arith.constant 0 : i32
      %add3A_365 = arith.addi %mul3A_363, %add3A_364 : i32
      %add3A_366 = arith.addi %mul3A_2, %add3A_365 : i32
      %mul3A_367 = arith.constant 128 : i32
      %mul3A_368 = arith.muli %add3A_366, %mul3A_367 : i32
      %dma_start3A_369 = arith.constant 0 : i32
      %dma_start3A_370 = arith.constant 0 : i32
      %dma_start3A_371 = arith.constant 0 : i32
      %dma_start3A_372 = arith.constant 0 : i32
      %dma_start3A_373 = tpu.memref_slice %arg6[%dma_start3A_369, %dma_start3A_371, %dma_start3A_372] : memref<5x128x128xf32, #tpu.memory_space<vmem>> -> memref<1x128x128xf32, #tpu.memory_space<vmem>>
      %dma_start3A_374 = tpu.memref_squeeze %dma_start3A_373 : memref<1x128x128xf32, #tpu.memory_space<vmem>> -> memref<128x128xf32, #tpu.memory_space<vmem>>
      %dma_start3A_375 = arith.constant 0 : i32
      %dma_start3A_376 = tpu.memref_slice %arg4[%mul3A_368, %dma_start3A_375] : memref<819200x128xf32, #tpu.memory_space<hbm>> -> memref<128x128xf32, #tpu.memory_space<hbm>>
      %dma_start3A_377 = tpu.memref_slice %arg8[%dma_start3A_370] : memref<5x!tpu.dma_semaphore, #tpu.memory_space<semaphore_mem>> -> memref<1x!tpu.dma_semaphore, #tpu.memory_space<semaphore_mem>>
      %dma_start3A_378 = tpu.memref_squeeze %dma_start3A_377 : memref<1x!tpu.dma_semaphore, #tpu.memory_space<semaphore_mem>> -> memref<!tpu.dma_semaphore, #tpu.memory_space<semaphore_mem>>
      %dma_start3A_379 = arith.constant 0 : i32
      %dma_start3A_380 = tpu.memref_slice %arg4[%mul3A_368, %dma_start3A_379] : memref<819200x128xf32, #tpu.memory_space<hbm>> -> memref<128x128xf32, #tpu.memory_space<hbm>>
      %dma_start3A_381 = arith.constant 0 : i32
      %dma_start3A_382 = arith.constant 0 : i32
      %dma_start3A_383 = tpu.memref_slice %arg6[%dma_start3A_369, %dma_start3A_381, %dma_start3A_382] : memref<5x128x128xf32, #tpu.memory_space<vmem>> -> memref<1x128x128xf32, #tpu.memory_space<vmem>>
      %dma_start3A_384 = tpu.memref_squeeze %dma_start3A_383 : memref<1x128x128xf32, #tpu.memory_space<vmem>> -> memref<128x128xf32, #tpu.memory_space<vmem>>
      tpu.enqueue_dma source(%dma_start3A_384 : memref<128x128xf32, #tpu.memory_space<vmem>>) target(%dma_start3A_380 : memref<128x128xf32, #tpu.memory_space<hbm>>) target_semaphore(%dma_start3A_378 : memref<!tpu.dma_semaphore, #tpu.memory_space<semaphore_mem>>)
      %dma_wait3A_385 = arith.constant 0 : i32
      %dma_wait3A_386 = arith.constant 1 : i32
      %dma_wait3A_387 = arith.constant 1 : i32
      %dma_wait3A_388 = arith.constant 0 : i32
      %dma_wait3A_389 = arith.constant 0 : i32
      %dma_wait3A_390 = tpu.memref_slice %arg6[%dma_wait3A_386, %dma_wait3A_388, %dma_wait3A_389] : memref<5x128x128xf32, #tpu.memory_space<vmem>> -> memref<1x128x128xf32, #tpu.memory_space<vmem>>
      %dma_wait3A_391 = tpu.memref_squeeze %dma_wait3A_390 : memref<1x128x128xf32, #tpu.memory_space<vmem>> -> memref<128x128xf32, #tpu.memory_space<vmem>>
      %dma_wait3A_392 = arith.constant 0 : i32
      %dma_wait3A_393 = tpu.memref_slice %arg5[%dma_wait3A_385, %dma_wait3A_392] : memref<200x128xi32, #tpu.memory_space<vmem>> -> memref<1x128xi32, #tpu.memory_space<vmem>>
      %dma_wait3A_394 = tpu.memref_squeeze %dma_wait3A_393 : memref<1x128xi32, #tpu.memory_space<vmem>> -> memref<128xi32, #tpu.memory_space<vmem>>
      %dma_wait3A_395 = arith.constant 0 : i32
      %dma_wait3A_396 = arith.constant 0 : i32
      %dma_wait3A_397 = tpu.memref_slice %arg3[%dma_wait3A_395, %dma_wait3A_396] : memref<100002x128xf32, #tpu.memory_space<hbm>> -> memref<100002x128xf32, #tpu.memory_space<hbm>>
      %dma_wait3A_398 = tpu.memref_slice %arg7[%dma_wait3A_387] : memref<5x!tpu.dma_semaphore, #tpu.memory_space<semaphore_mem>> -> memref<1x!tpu.dma_semaphore, #tpu.memory_space<semaphore_mem>>
      %dma_wait3A_399 = tpu.memref_squeeze %dma_wait3A_398 : memref<1x!tpu.dma_semaphore, #tpu.memory_space<semaphore_mem>> -> memref<!tpu.dma_semaphore, #tpu.memory_space<semaphore_mem>>
      tpu.wait_indirect_dma semaphore(%dma_wait3A_399 : memref<!tpu.dma_semaphore, #tpu.memory_space<semaphore_mem>>) src(%dma_wait3A_397 : memref<100002x128xf32, #tpu.memory_space<hbm>>) dst(%dma_wait3A_391 : memref<128x128xf32, #tpu.memory_space<vmem>>)
      %mul3A_400 = arith.constant 5 : i32
      %mul3A_401 = arith.muli %scan3A_346, %mul3A_400 : i32
      %add3A_402 = arith.constant 1 : i32
      %add3A_403 = arith.addi %mul3A_401, %add3A_402 : i32
      %add3A_404 = arith.addi %mul3A_2, %add3A_403 : i32
      %mul3A_405 = arith.constant 128 : i32
      %mul3A_406 = arith.muli %add3A_404, %mul3A_405 : i32
      %dma_start3A_407 = arith.constant 1 : i32
      %dma_start3A_408 = arith.constant 1 : i32
      %dma_start3A_409 = arith.constant 0 : i32
      %dma_start3A_410 = arith.constant 0 : i32
      %dma_start3A_411 = tpu.memref_slice %arg6[%dma_start3A_407, %dma_start3A_409, %dma_start3A_410] : memref<5x128x128xf32, #tpu.memory_space<vmem>> -> memref<1x128x128xf32, #tpu.memory_space<vmem>>
      %dma_start3A_412 = tpu.memref_squeeze %dma_start3A_411 : memref<1x128x128xf32, #tpu.memory_space<vmem>> -> memref<128x128xf32, #tpu.memory_space<vmem>>
      %dma_start3A_413 = arith.constant 0 : i32
      %dma_start3A_414 = tpu.memref_slice %arg4[%mul3A_406, %dma_start3A_413] : memref<819200x128xf32, #tpu.memory_space<hbm>> -> memref<128x128xf32, #tpu.memory_space<hbm>>
      %dma_start3A_415 = tpu.memref_slice %arg8[%dma_start3A_408] : memref<5x!tpu.dma_semaphore, #tpu.memory_space<semaphore_mem>> -> memref<1x!tpu.dma_semaphore, #tpu.memory_space<semaphore_mem>>
      %dma_start3A_416 = tpu.memref_squeeze %dma_start3A_415 : memref<1x!tpu.dma_semaphore, #tpu.memory_space<semaphore_mem>> -> memref<!tpu.dma_semaphore, #tpu.memory_space<semaphore_mem>>
      %dma_start3A_417 = arith.constant 0 : i32
      %dma_start3A_418 = tpu.memref_slice %arg4[%mul3A_406, %dma_start3A_417] : memref<819200x128xf32, #tpu.memory_space<hbm>> -> memref<128x128xf32, #tpu.memory_space<hbm>>
      %dma_start3A_419 = arith.constant 0 : i32
      %dma_start3A_420 = arith.constant 0 : i32
      %dma_start3A_421 = tpu.memref_slice %arg6[%dma_start3A_407, %dma_start3A_419, %dma_start3A_420] : memref<5x128x128xf32, #tpu.memory_space<vmem>> -> memref<1x128x128xf32, #tpu.memory_space<vmem>>
      %dma_start3A_422 = tpu.memref_squeeze %dma_start3A_421 : memref<1x128x128xf32, #tpu.memory_space<vmem>> -> memref<128x128xf32, #tpu.memory_space<vmem>>
      tpu.enqueue_dma source(%dma_start3A_422 : memref<128x128xf32, #tpu.memory_space<vmem>>) target(%dma_start3A_418 : memref<128x128xf32, #tpu.memory_space<hbm>>) target_semaphore(%dma_start3A_416 : memref<!tpu.dma_semaphore, #tpu.memory_space<semaphore_mem>>)
      %dma_wait3A_423 = arith.constant 0 : i32
      %dma_wait3A_424 = arith.constant 2 : i32
      %dma_wait3A_425 = arith.constant 2 : i32
      %dma_wait3A_426 = arith.constant 0 : i32
      %dma_wait3A_427 = arith.constant 0 : i32
      %dma_wait3A_428 = tpu.memref_slice %arg6[%dma_wait3A_424, %dma_wait3A_426, %dma_wait3A_427] : memref<5x128x128xf32, #tpu.memory_space<vmem>> -> memref<1x128x128xf32, #tpu.memory_space<vmem>>
      %dma_wait3A_429 = tpu.memref_squeeze %dma_wait3A_428 : memref<1x128x128xf32, #tpu.memory_space<vmem>> -> memref<128x128xf32, #tpu.memory_space<vmem>>
      %dma_wait3A_430 = arith.constant 0 : i32
      %dma_wait3A_431 = tpu.memref_slice %arg5[%dma_wait3A_423, %dma_wait3A_430] : memref<200x128xi32, #tpu.memory_space<vmem>> -> memref<1x128xi32, #tpu.memory_space<vmem>>
      %dma_wait3A_432 = tpu.memref_squeeze %dma_wait3A_431 : memref<1x128xi32, #tpu.memory_space<vmem>> -> memref<128xi32, #tpu.memory_space<vmem>>
      %dma_wait3A_433 = arith.constant 0 : i32
      %dma_wait3A_434 = arith.constant 0 : i32
      %dma_wait3A_435 = tpu.memref_slice %arg3[%dma_wait3A_433, %dma_wait3A_434] : memref<100002x128xf32, #tpu.memory_space<hbm>> -> memref<100002x128xf32, #tpu.memory_space<hbm>>
      %dma_wait3A_436 = tpu.memref_slice %arg7[%dma_wait3A_425] : memref<5x!tpu.dma_semaphore, #tpu.memory_space<semaphore_mem>> -> memref<1x!tpu.dma_semaphore, #tpu.memory_space<semaphore_mem>>
      %dma_wait3A_437 = tpu.memref_squeeze %dma_wait3A_436 : memref<1x!tpu.dma_semaphore, #tpu.memory_space<semaphore_mem>> -> memref<!tpu.dma_semaphore, #tpu.memory_space<semaphore_mem>>
      tpu.wait_indirect_dma semaphore(%dma_wait3A_437 : memref<!tpu.dma_semaphore, #tpu.memory_space<semaphore_mem>>) src(%dma_wait3A_435 : memref<100002x128xf32, #tpu.memory_space<hbm>>) dst(%dma_wait3A_429 : memref<128x128xf32, #tpu.memory_space<vmem>>)
      %mul3A_438 = arith.constant 5 : i32
      %mul3A_439 = arith.muli %scan3A_346, %mul3A_438 : i32
      %add3A_440 = arith.constant 2 : i32
      %add3A_441 = arith.addi %mul3A_439, %add3A_440 : i32
      %add3A_442 = arith.addi %mul3A_2, %add3A_441 : i32
      %mul3A_443 = arith.constant 128 : i32
      %mul3A_444 = arith.muli %add3A_442, %mul3A_443 : i32
      %dma_start3A_445 = arith.constant 2 : i32
      %dma_start3A_446 = arith.constant 2 : i32
      %dma_start3A_447 = arith.constant 0 : i32
      %dma_start3A_448 = arith.constant 0 : i32
      %dma_start3A_449 = tpu.memref_slice %arg6[%dma_start3A_445, %dma_start3A_447, %dma_start3A_448] : memref<5x128x128xf32, #tpu.memory_space<vmem>> -> memref<1x128x128xf32, #tpu.memory_space<vmem>>
      %dma_start3A_450 = tpu.memref_squeeze %dma_start3A_449 : memref<1x128x128xf32, #tpu.memory_space<vmem>> -> memref<128x128xf32, #tpu.memory_space<vmem>>
      %dma_start3A_451 = arith.constant 0 : i32
      %dma_start3A_452 = tpu.memref_slice %arg4[%mul3A_444, %dma_start3A_451] : memref<819200x128xf32, #tpu.memory_space<hbm>> -> memref<128x128xf32, #tpu.memory_space<hbm>>
      %dma_start3A_453 = tpu.memref_slice %arg8[%dma_start3A_446] : memref<5x!tpu.dma_semaphore, #tpu.memory_space<semaphore_mem>> -> memref<1x!tpu.dma_semaphore, #tpu.memory_space<semaphore_mem>>
      %dma_start3A_454 = tpu.memref_squeeze %dma_start3A_453 : memref<1x!tpu.dma_semaphore, #tpu.memory_space<semaphore_mem>> -> memref<!tpu.dma_semaphore, #tpu.memory_space<semaphore_mem>>
      %dma_start3A_455 = arith.constant 0 : i32
      %dma_start3A_456 = tpu.memref_slice %arg4[%mul3A_444, %dma_start3A_455] : memref<819200x128xf32, #tpu.memory_space<hbm>> -> memref<128x128xf32, #tpu.memory_space<hbm>>
      %dma_start3A_457 = arith.constant 0 : i32
      %dma_start3A_458 = arith.constant 0 : i32
      %dma_start3A_459 = tpu.memref_slice %arg6[%dma_start3A_445, %dma_start3A_457, %dma_start3A_458] : memref<5x128x128xf32, #tpu.memory_space<vmem>> -> memref<1x128x128xf32, #tpu.memory_space<vmem>>
      %dma_start3A_460 = tpu.memref_squeeze %dma_start3A_459 : memref<1x128x128xf32, #tpu.memory_space<vmem>> -> memref<128x128xf32, #tpu.memory_space<vmem>>
      tpu.enqueue_dma source(%dma_start3A_460 : memref<128x128xf32, #tpu.memory_space<vmem>>) target(%dma_start3A_456 : memref<128x128xf32, #tpu.memory_space<hbm>>) target_semaphore(%dma_start3A_454 : memref<!tpu.dma_semaphore, #tpu.memory_space<semaphore_mem>>)
      %dma_wait3A_461 = arith.constant 0 : i32
      %dma_wait3A_462 = arith.constant 3 : i32
      %dma_wait3A_463 = arith.constant 3 : i32
      %dma_wait3A_464 = arith.constant 0 : i32
      %dma_wait3A_465 = arith.constant 0 : i32
      %dma_wait3A_466 = tpu.memref_slice %arg6[%dma_wait3A_462, %dma_wait3A_464, %dma_wait3A_465] : memref<5x128x128xf32, #tpu.memory_space<vmem>> -> memref<1x128x128xf32, #tpu.memory_space<vmem>>
      %dma_wait3A_467 = tpu.memref_squeeze %dma_wait3A_466 : memref<1x128x128xf32, #tpu.memory_space<vmem>> -> memref<128x128xf32, #tpu.memory_space<vmem>>
      %dma_wait3A_468 = arith.constant 0 : i32
      %dma_wait3A_469 = tpu.memref_slice %arg5[%dma_wait3A_461, %dma_wait3A_468] : memref<200x128xi32, #tpu.memory_space<vmem>> -> memref<1x128xi32, #tpu.memory_space<vmem>>
      %dma_wait3A_470 = tpu.memref_squeeze %dma_wait3A_469 : memref<1x128xi32, #tpu.memory_space<vmem>> -> memref<128xi32, #tpu.memory_space<vmem>>
      %dma_wait3A_471 = arith.constant 0 : i32
      %dma_wait3A_472 = arith.constant 0 : i32
      %dma_wait3A_473 = tpu.memref_slice %arg3[%dma_wait3A_471, %dma_wait3A_472] : memref<100002x128xf32, #tpu.memory_space<hbm>> -> memref<100002x128xf32, #tpu.memory_space<hbm>>
      %dma_wait3A_474 = tpu.memref_slice %arg7[%dma_wait3A_463] : memref<5x!tpu.dma_semaphore, #tpu.memory_space<semaphore_mem>> -> memref<1x!tpu.dma_semaphore, #tpu.memory_space<semaphore_mem>>
      %dma_wait3A_475 = tpu.memref_squeeze %dma_wait3A_474 : memref<1x!tpu.dma_semaphore, #tpu.memory_space<semaphore_mem>> -> memref<!tpu.dma_semaphore, #tpu.memory_space<semaphore_mem>>
      tpu.wait_indirect_dma semaphore(%dma_wait3A_475 : memref<!tpu.dma_semaphore, #tpu.memory_space<semaphore_mem>>) src(%dma_wait3A_473 : memref<100002x128xf32, #tpu.memory_space<hbm>>) dst(%dma_wait3A_467 : memref<128x128xf32, #tpu.memory_space<vmem>>)
      %mul3A_476 = arith.constant 5 : i32
      %mul3A_477 = arith.muli %scan3A_346, %mul3A_476 : i32
      %add3A_478 = arith.constant 3 : i32
      %add3A_479 = arith.addi %mul3A_477, %add3A_478 : i32
      %add3A_480 = arith.addi %mul3A_2, %add3A_479 : i32
      %mul3A_481 = arith.constant 128 : i32
      %mul3A_482 = arith.muli %add3A_480, %mul3A_481 : i32
      %dma_start3A_483 = arith.constant 3 : i32
      %dma_start3A_484 = arith.constant 3 : i32
      %dma_start3A_485 = arith.constant 0 : i32
      %dma_start3A_486 = arith.constant 0 : i32
      %dma_start3A_487 = tpu.memref_slice %arg6[%dma_start3A_483, %dma_start3A_485, %dma_start3A_486] : memref<5x128x128xf32, #tpu.memory_space<vmem>> -> memref<1x128x128xf32, #tpu.memory_space<vmem>>
      %dma_start3A_488 = tpu.memref_squeeze %dma_start3A_487 : memref<1x128x128xf32, #tpu.memory_space<vmem>> -> memref<128x128xf32, #tpu.memory_space<vmem>>
      %dma_start3A_489 = arith.constant 0 : i32
      %dma_start3A_490 = tpu.memref_slice %arg4[%mul3A_482, %dma_start3A_489] : memref<819200x128xf32, #tpu.memory_space<hbm>> -> memref<128x128xf32, #tpu.memory_space<hbm>>
      %dma_start3A_491 = tpu.memref_slice %arg8[%dma_start3A_484] : memref<5x!tpu.dma_semaphore, #tpu.memory_space<semaphore_mem>> -> memref<1x!tpu.dma_semaphore, #tpu.memory_space<semaphore_mem>>
      %dma_start3A_492 = tpu.memref_squeeze %dma_start3A_491 : memref<1x!tpu.dma_semaphore, #tpu.memory_space<semaphore_mem>> -> memref<!tpu.dma_semaphore, #tpu.memory_space<semaphore_mem>>
      %dma_start3A_493 = arith.constant 0 : i32
      %dma_start3A_494 = tpu.memref_slice %arg4[%mul3A_482, %dma_start3A_493] : memref<819200x128xf32, #tpu.memory_space<hbm>> -> memref<128x128xf32, #tpu.memory_space<hbm>>
      %dma_start3A_495 = arith.constant 0 : i32
      %dma_start3A_496 = arith.constant 0 : i32
      %dma_start3A_497 = tpu.memref_slice %arg6[%dma_start3A_483, %dma_start3A_495, %dma_start3A_496] : memref<5x128x128xf32, #tpu.memory_space<vmem>> -> memref<1x128x128xf32, #tpu.memory_space<vmem>>
      %dma_start3A_498 = tpu.memref_squeeze %dma_start3A_497 : memref<1x128x128xf32, #tpu.memory_space<vmem>> -> memref<128x128xf32, #tpu.memory_space<vmem>>
      tpu.enqueue_dma source(%dma_start3A_498 : memref<128x128xf32, #tpu.memory_space<vmem>>) target(%dma_start3A_494 : memref<128x128xf32, #tpu.memory_space<hbm>>) target_semaphore(%dma_start3A_492 : memref<!tpu.dma_semaphore, #tpu.memory_space<semaphore_mem>>)
      %dma_wait3A_499 = arith.constant 0 : i32
      %dma_wait3A_500 = arith.constant 4 : i32
      %dma_wait3A_501 = arith.constant 4 : i32
      %dma_wait3A_502 = arith.constant 0 : i32
      %dma_wait3A_503 = arith.constant 0 : i32
      %dma_wait3A_504 = tpu.memref_slice %arg6[%dma_wait3A_500, %dma_wait3A_502, %dma_wait3A_503] : memref<5x128x128xf32, #tpu.memory_space<vmem>> -> memref<1x128x128xf32, #tpu.memory_space<vmem>>
      %dma_wait3A_505 = tpu.memref_squeeze %dma_wait3A_504 : memref<1x128x128xf32, #tpu.memory_space<vmem>> -> memref<128x128xf32, #tpu.memory_space<vmem>>
      %dma_wait3A_506 = arith.constant 0 : i32
      %dma_wait3A_507 = tpu.memref_slice %arg5[%dma_wait3A_499, %dma_wait3A_506] : memref<200x128xi32, #tpu.memory_space<vmem>> -> memref<1x128xi32, #tpu.memory_space<vmem>>
      %dma_wait3A_508 = tpu.memref_squeeze %dma_wait3A_507 : memref<1x128xi32, #tpu.memory_space<vmem>> -> memref<128xi32, #tpu.memory_space<vmem>>
      %dma_wait3A_509 = arith.constant 0 : i32
      %dma_wait3A_510 = arith.constant 0 : i32
      %dma_wait3A_511 = tpu.memref_slice %arg3[%dma_wait3A_509, %dma_wait3A_510] : memref<100002x128xf32, #tpu.memory_space<hbm>> -> memref<100002x128xf32, #tpu.memory_space<hbm>>
      %dma_wait3A_512 = tpu.memref_slice %arg7[%dma_wait3A_501] : memref<5x!tpu.dma_semaphore, #tpu.memory_space<semaphore_mem>> -> memref<1x!tpu.dma_semaphore, #tpu.memory_space<semaphore_mem>>
      %dma_wait3A_513 = tpu.memref_squeeze %dma_wait3A_512 : memref<1x!tpu.dma_semaphore, #tpu.memory_space<semaphore_mem>> -> memref<!tpu.dma_semaphore, #tpu.memory_space<semaphore_mem>>
      tpu.wait_indirect_dma semaphore(%dma_wait3A_513 : memref<!tpu.dma_semaphore, #tpu.memory_space<semaphore_mem>>) src(%dma_wait3A_511 : memref<100002x128xf32, #tpu.memory_space<hbm>>) dst(%dma_wait3A_505 : memref<128x128xf32, #tpu.memory_space<vmem>>)
      %mul3A_514 = arith.constant 5 : i32
      %mul3A_515 = arith.muli %scan3A_346, %mul3A_514 : i32
      %add3A_516 = arith.constant 4 : i32
      %add3A_517 = arith.addi %mul3A_515, %add3A_516 : i32
      %add3A_518 = arith.addi %mul3A_2, %add3A_517 : i32
      %mul3A_519 = arith.constant 128 : i32
      %mul3A_520 = arith.muli %add3A_518, %mul3A_519 : i32
      %dma_start3A_521 = arith.constant 4 : i32
      %dma_start3A_522 = arith.constant 4 : i32
      %dma_start3A_523 = arith.constant 0 : i32
      %dma_start3A_524 = arith.constant 0 : i32
      %dma_start3A_525 = tpu.memref_slice %arg6[%dma_start3A_521, %dma_start3A_523, %dma_start3A_524] : memref<5x128x128xf32, #tpu.memory_space<vmem>> -> memref<1x128x128xf32, #tpu.memory_space<vmem>>
      %dma_start3A_526 = tpu.memref_squeeze %dma_start3A_525 : memref<1x128x128xf32, #tpu.memory_space<vmem>> -> memref<128x128xf32, #tpu.memory_space<vmem>>
      %dma_start3A_527 = arith.constant 0 : i32
      %dma_start3A_528 = tpu.memref_slice %arg4[%mul3A_520, %dma_start3A_527] : memref<819200x128xf32, #tpu.memory_space<hbm>> -> memref<128x128xf32, #tpu.memory_space<hbm>>
      %dma_start3A_529 = tpu.memref_slice %arg8[%dma_start3A_522] : memref<5x!tpu.dma_semaphore, #tpu.memory_space<semaphore_mem>> -> memref<1x!tpu.dma_semaphore, #tpu.memory_space<semaphore_mem>>
      %dma_start3A_530 = tpu.memref_squeeze %dma_start3A_529 : memref<1x!tpu.dma_semaphore, #tpu.memory_space<semaphore_mem>> -> memref<!tpu.dma_semaphore, #tpu.memory_space<semaphore_mem>>
      %dma_start3A_531 = arith.constant 0 : i32
      %dma_start3A_532 = tpu.memref_slice %arg4[%mul3A_520, %dma_start3A_531] : memref<819200x128xf32, #tpu.memory_space<hbm>> -> memref<128x128xf32, #tpu.memory_space<hbm>>
      %dma_start3A_533 = arith.constant 0 : i32
      %dma_start3A_534 = arith.constant 0 : i32
      %dma_start3A_535 = tpu.memref_slice %arg6[%dma_start3A_521, %dma_start3A_533, %dma_start3A_534] : memref<5x128x128xf32, #tpu.memory_space<vmem>> -> memref<1x128x128xf32, #tpu.memory_space<vmem>>
      %dma_start3A_536 = tpu.memref_squeeze %dma_start3A_535 : memref<1x128x128xf32, #tpu.memory_space<vmem>> -> memref<128x128xf32, #tpu.memory_space<vmem>>
      tpu.enqueue_dma source(%dma_start3A_536 : memref<128x128xf32, #tpu.memory_space<vmem>>) target(%dma_start3A_532 : memref<128x128xf32, #tpu.memory_space<hbm>>) target_semaphore(%dma_start3A_530 : memref<!tpu.dma_semaphore, #tpu.memory_space<semaphore_mem>>)
      %dma_wait3A_537 = arith.constant 0 : i32
      %dma_wait3A_538 = arith.constant 0 : i32
      %dma_wait3A_539 = arith.constant 0 : i32
      %dma_wait3A_540 = arith.constant 0 : i32
      %dma_wait3A_541 = tpu.memref_slice %arg6[%dma_wait3A_537, %dma_wait3A_539, %dma_wait3A_540] : memref<5x128x128xf32, #tpu.memory_space<vmem>> -> memref<1x128x128xf32, #tpu.memory_space<vmem>>
      %dma_wait3A_542 = tpu.memref_squeeze %dma_wait3A_541 : memref<1x128x128xf32, #tpu.memory_space<vmem>> -> memref<128x128xf32, #tpu.memory_space<vmem>>
      %dma_wait3A_543 = arith.constant 0 : i32
      %dma_wait3A_544 = arith.constant 0 : i32
      %dma_wait3A_545 = tpu.memref_slice %arg4[%dma_wait3A_543, %dma_wait3A_544] : memref<819200x128xf32, #tpu.memory_space<hbm>> -> memref<128x128xf32, #tpu.memory_space<hbm>>
      %dma_wait3A_546 = tpu.memref_slice %arg8[%dma_wait3A_538] : memref<5x!tpu.dma_semaphore, #tpu.memory_space<semaphore_mem>> -> memref<1x!tpu.dma_semaphore, #tpu.memory_space<semaphore_mem>>
      %dma_wait3A_547 = tpu.memref_squeeze %dma_wait3A_546 : memref<1x!tpu.dma_semaphore, #tpu.memory_space<semaphore_mem>> -> memref<!tpu.dma_semaphore, #tpu.memory_space<semaphore_mem>>
      %dma_wait3A_548 = arith.constant 0 : i32
      %dma_wait3A_549 = arith.constant 0 : i32
      %dma_wait3A_550 = tpu.memref_slice %arg4[%dma_wait3A_548, %dma_wait3A_549] : memref<819200x128xf32, #tpu.memory_space<hbm>> -> memref<128x128xf32, #tpu.memory_space<hbm>>
      %dma_wait3A_551 = arith.constant 0 : i32
      %dma_wait3A_552 = arith.constant 0 : i32
      %dma_wait3A_553 = tpu.memref_slice %arg6[%dma_wait3A_537, %dma_wait3A_551, %dma_wait3A_552] : memref<5x128x128xf32, #tpu.memory_space<vmem>> -> memref<1x128x128xf32, #tpu.memory_space<vmem>>
      %dma_wait3A_554 = tpu.memref_squeeze %dma_wait3A_553 : memref<1x128x128xf32, #tpu.memory_space<vmem>> -> memref<128x128xf32, #tpu.memory_space<vmem>>
      tpu.wait_dma2 semaphore(%dma_wait3A_547 : memref<!tpu.dma_semaphore, #tpu.memory_space<semaphore_mem>>) src(%dma_wait3A_554 : memref<128x128xf32, #tpu.memory_space<vmem>>) dst(%dma_wait3A_550 : memref<128x128xf32, #tpu.memory_space<hbm>>)
      %add3A_555 = arith.constant 1 : i32
      %add3A_556 = arith.addi %scan3A_346, %add3A_555 : i32
      %mul3A_557 = arith.constant 5 : i32
      %mul3A_558 = arith.muli %add3A_556, %mul3A_557 : i32
      %add3A_559 = arith.constant 0 : i32
      %add3A_560 = arith.addi %mul3A_558, %add3A_559 : i32
      %dma_start3A_561 = arith.constant 0 : i32
      %dma_start3A_562 = arith.constant 0 : i32
      %dma_start3A_563 = arith.constant 0 : i32
      %dma_start3A_564 = arith.constant 0 : i32
      %dma_start3A_565 = tpu.memref_slice %arg6[%dma_start3A_561, %dma_start3A_563, %dma_start3A_564] : memref<5x128x128xf32, #tpu.memory_space<vmem>> -> memref<1x128x128xf32, #tpu.memory_space<vmem>>
      %dma_start3A_566 = tpu.memref_squeeze %dma_start3A_565 : memref<1x128x128xf32, #tpu.memory_space<vmem>> -> memref<128x128xf32, #tpu.memory_space<vmem>>
      %dma_start3A_567 = arith.constant 0 : i32
      %dma_start3A_568 = tpu.memref_slice %arg5[%add3A_560, %dma_start3A_567] : memref<200x128xi32, #tpu.memory_space<vmem>> -> memref<1x128xi32, #tpu.memory_space<vmem>>
      %dma_start3A_569 = tpu.memref_squeeze %dma_start3A_568 : memref<1x128xi32, #tpu.memory_space<vmem>> -> memref<128xi32, #tpu.memory_space<vmem>>
      %dma_start3A_570 = arith.constant 0 : i32
      %dma_start3A_571 = arith.constant 0 : i32
      %dma_start3A_572 = tpu.memref_slice %arg3[%dma_start3A_570, %dma_start3A_571] : memref<100002x128xf32, #tpu.memory_space<hbm>> -> memref<100002x128xf32, #tpu.memory_space<hbm>>
      %dma_start3A_573 = tpu.memref_slice %arg7[%dma_start3A_562] : memref<5x!tpu.dma_semaphore, #tpu.memory_space<semaphore_mem>> -> memref<1x!tpu.dma_semaphore, #tpu.memory_space<semaphore_mem>>
      %dma_start3A_574 = tpu.memref_squeeze %dma_start3A_573 : memref<1x!tpu.dma_semaphore, #tpu.memory_space<semaphore_mem>> -> memref<!tpu.dma_semaphore, #tpu.memory_space<semaphore_mem>>
      tpu.enqueue_indirect_dma source(%dma_start3A_572 : memref<100002x128xf32, #tpu.memory_space<hbm>>) target(%dma_start3A_566 : memref<128x128xf32, #tpu.memory_space<vmem>>) offsets(%dma_start3A_569 : memref<128xi32, #tpu.memory_space<vmem>>) semaphore(%dma_start3A_574 : memref<!tpu.dma_semaphore, #tpu.memory_space<semaphore_mem>>)
      %dma_wait3A_575 = arith.constant 1 : i32
      %dma_wait3A_576 = arith.constant 1 : i32
      %dma_wait3A_577 = arith.constant 0 : i32
      %dma_wait3A_578 = arith.constant 0 : i32
      %dma_wait3A_579 = tpu.memref_slice %arg6[%dma_wait3A_575, %dma_wait3A_577, %dma_wait3A_578] : memref<5x128x128xf32, #tpu.memory_space<vmem>> -> memref<1x128x128xf32, #tpu.memory_space<vmem>>
      %dma_wait3A_580 = tpu.memref_squeeze %dma_wait3A_579 : memref<1x128x128xf32, #tpu.memory_space<vmem>> -> memref<128x128xf32, #tpu.memory_space<vmem>>
      %dma_wait3A_581 = arith.constant 0 : i32
      %dma_wait3A_582 = arith.constant 0 : i32
      %dma_wait3A_583 = tpu.memref_slice %arg4[%dma_wait3A_581, %dma_wait3A_582] : memref<819200x128xf32, #tpu.memory_space<hbm>> -> memref<128x128xf32, #tpu.memory_space<hbm>>
      %dma_wait3A_584 = tpu.memref_slice %arg8[%dma_wait3A_576] : memref<5x!tpu.dma_semaphore, #tpu.memory_space<semaphore_mem>> -> memref<1x!tpu.dma_semaphore, #tpu.memory_space<semaphore_mem>>
      %dma_wait3A_585 = tpu.memref_squeeze %dma_wait3A_584 : memref<1x!tpu.dma_semaphore, #tpu.memory_space<semaphore_mem>> -> memref<!tpu.dma_semaphore, #tpu.memory_space<semaphore_mem>>
      %dma_wait3A_586 = arith.constant 0 : i32
      %dma_wait3A_587 = arith.constant 0 : i32
      %dma_wait3A_588 = tpu.memref_slice %arg4[%dma_wait3A_586, %dma_wait3A_587] : memref<819200x128xf32, #tpu.memory_space<hbm>> -> memref<128x128xf32, #tpu.memory_space<hbm>>
      %dma_wait3A_589 = arith.constant 0 : i32
      %dma_wait3A_590 = arith.constant 0 : i32
      %dma_wait3A_591 = tpu.memref_slice %arg6[%dma_wait3A_575, %dma_wait3A_589, %dma_wait3A_590] : memref<5x128x128xf32, #tpu.memory_space<vmem>> -> memref<1x128x128xf32, #tpu.memory_space<vmem>>
      %dma_wait3A_592 = tpu.memref_squeeze %dma_wait3A_591 : memref<1x128x128xf32, #tpu.memory_space<vmem>> -> memref<128x128xf32, #tpu.memory_space<vmem>>
      tpu.wait_dma2 semaphore(%dma_wait3A_585 : memref<!tpu.dma_semaphore, #tpu.memory_space<semaphore_mem>>) src(%dma_wait3A_592 : memref<128x128xf32, #tpu.memory_space<vmem>>) dst(%dma_wait3A_588 : memref<128x128xf32, #tpu.memory_space<hbm>>)
      %add3A_593 = arith.constant 1 : i32
      %add3A_594 = arith.addi %scan3A_346, %add3A_593 : i32
      %mul3A_595 = arith.constant 5 : i32
      %mul3A_596 = arith.muli %add3A_594, %mul3A_595 : i32
      %add3A_597 = arith.constant 1 : i32
      %add3A_598 = arith.addi %mul3A_596, %add3A_597 : i32
      %dma_start3A_599 = arith.constant 1 : i32
      %dma_start3A_600 = arith.constant 1 : i32
      %dma_start3A_601 = arith.constant 0 : i32
      %dma_start3A_602 = arith.constant 0 : i32
      %dma_start3A_603 = tpu.memref_slice %arg6[%dma_start3A_599, %dma_start3A_601, %dma_start3A_602] : memref<5x128x128xf32, #tpu.memory_space<vmem>> -> memref<1x128x128xf32, #tpu.memory_space<vmem>>
      %dma_start3A_604 = tpu.memref_squeeze %dma_start3A_603 : memref<1x128x128xf32, #tpu.memory_space<vmem>> -> memref<128x128xf32, #tpu.memory_space<vmem>>
      %dma_start3A_605 = arith.constant 0 : i32
      %dma_start3A_606 = tpu.memref_slice %arg5[%add3A_598, %dma_start3A_605] : memref<200x128xi32, #tpu.memory_space<vmem>> -> memref<1x128xi32, #tpu.memory_space<vmem>>
      %dma_start3A_607 = tpu.memref_squeeze %dma_start3A_606 : memref<1x128xi32, #tpu.memory_space<vmem>> -> memref<128xi32, #tpu.memory_space<vmem>>
      %dma_start3A_608 = arith.constant 0 : i32
      %dma_start3A_609 = arith.constant 0 : i32
      %dma_start3A_610 = tpu.memref_slice %arg3[%dma_start3A_608, %dma_start3A_609] : memref<100002x128xf32, #tpu.memory_space<hbm>> -> memref<100002x128xf32, #tpu.memory_space<hbm>>
      %dma_start3A_611 = tpu.memref_slice %arg7[%dma_start3A_600] : memref<5x!tpu.dma_semaphore, #tpu.memory_space<semaphore_mem>> -> memref<1x!tpu.dma_semaphore, #tpu.memory_space<semaphore_mem>>
      %dma_start3A_612 = tpu.memref_squeeze %dma_start3A_611 : memref<1x!tpu.dma_semaphore, #tpu.memory_space<semaphore_mem>> -> memref<!tpu.dma_semaphore, #tpu.memory_space<semaphore_mem>>
      tpu.enqueue_indirect_dma source(%dma_start3A_610 : memref<100002x128xf32, #tpu.memory_space<hbm>>) target(%dma_start3A_604 : memref<128x128xf32, #tpu.memory_space<vmem>>) offsets(%dma_start3A_607 : memref<128xi32, #tpu.memory_space<vmem>>) semaphore(%dma_start3A_612 : memref<!tpu.dma_semaphore, #tpu.memory_space<semaphore_mem>>)
      %dma_wait3A_613 = arith.constant 2 : i32
      %dma_wait3A_614 = arith.constant 2 : i32
      %dma_wait3A_615 = arith.constant 0 : i32
      %dma_wait3A_616 = arith.constant 0 : i32
      %dma_wait3A_617 = tpu.memref_slice %arg6[%dma_wait3A_613, %dma_wait3A_615, %dma_wait3A_616] : memref<5x128x128xf32, #tpu.memory_space<vmem>> -> memref<1x128x128xf32, #tpu.memory_space<vmem>>
      %dma_wait3A_618 = tpu.memref_squeeze %dma_wait3A_617 : memref<1x128x128xf32, #tpu.memory_space<vmem>> -> memref<128x128xf32, #tpu.memory_space<vmem>>
      %dma_wait3A_619 = arith.constant 0 : i32
      %dma_wait3A_620 = arith.constant 0 : i32
      %dma_wait3A_621 = tpu.memref_slice %arg4[%dma_wait3A_619, %dma_wait3A_620] : memref<819200x128xf32, #tpu.memory_space<hbm>> -> memref<128x128xf32, #tpu.memory_space<hbm>>
      %dma_wait3A_622 = tpu.memref_slice %arg8[%dma_wait3A_614] : memref<5x!tpu.dma_semaphore, #tpu.memory_space<semaphore_mem>> -> memref<1x!tpu.dma_semaphore, #tpu.memory_space<semaphore_mem>>
      %dma_wait3A_623 = tpu.memref_squeeze %dma_wait3A_622 : memref<1x!tpu.dma_semaphore, #tpu.memory_space<semaphore_mem>> -> memref<!tpu.dma_semaphore, #tpu.memory_space<semaphore_mem>>
      %dma_wait3A_624 = arith.constant 0 : i32
      %dma_wait3A_625 = arith.constant 0 : i32
      %dma_wait3A_626 = tpu.memref_slice %arg4[%dma_wait3A_624, %dma_wait3A_625] : memref<819200x128xf32, #tpu.memory_space<hbm>> -> memref<128x128xf32, #tpu.memory_space<hbm>>
      %dma_wait3A_627 = arith.constant 0 : i32
      %dma_wait3A_628 = arith.constant 0 : i32
      %dma_wait3A_629 = tpu.memref_slice %arg6[%dma_wait3A_613, %dma_wait3A_627, %dma_wait3A_628] : memref<5x128x128xf32, #tpu.memory_space<vmem>> -> memref<1x128x128xf32, #tpu.memory_space<vmem>>
      %dma_wait3A_630 = tpu.memref_squeeze %dma_wait3A_629 : memref<1x128x128xf32, #tpu.memory_space<vmem>> -> memref<128x128xf32, #tpu.memory_space<vmem>>
      tpu.wait_dma2 semaphore(%dma_wait3A_623 : memref<!tpu.dma_semaphore, #tpu.memory_space<semaphore_mem>>) src(%dma_wait3A_630 : memref<128x128xf32, #tpu.memory_space<vmem>>) dst(%dma_wait3A_626 : memref<128x128xf32, #tpu.memory_space<hbm>>)
      %add3A_631 = arith.constant 1 : i32
      %add3A_632 = arith.addi %scan3A_346, %add3A_631 : i32
      %mul3A_633 = arith.constant 5 : i32
      %mul3A_634 = arith.muli %add3A_632, %mul3A_633 : i32
      %add3A_635 = arith.constant 2 : i32
      %add3A_636 = arith.addi %mul3A_634, %add3A_635 : i32
      %dma_start3A_637 = arith.constant 2 : i32
      %dma_start3A_638 = arith.constant 2 : i32
      %dma_start3A_639 = arith.constant 0 : i32
      %dma_start3A_640 = arith.constant 0 : i32
      %dma_start3A_641 = tpu.memref_slice %arg6[%dma_start3A_637, %dma_start3A_639, %dma_start3A_640] : memref<5x128x128xf32, #tpu.memory_space<vmem>> -> memref<1x128x128xf32, #tpu.memory_space<vmem>>
      %dma_start3A_642 = tpu.memref_squeeze %dma_start3A_641 : memref<1x128x128xf32, #tpu.memory_space<vmem>> -> memref<128x128xf32, #tpu.memory_space<vmem>>
      %dma_start3A_643 = arith.constant 0 : i32
      %dma_start3A_644 = tpu.memref_slice %arg5[%add3A_636, %dma_start3A_643] : memref<200x128xi32, #tpu.memory_space<vmem>> -> memref<1x128xi32, #tpu.memory_space<vmem>>
      %dma_start3A_645 = tpu.memref_squeeze %dma_start3A_644 : memref<1x128xi32, #tpu.memory_space<vmem>> -> memref<128xi32, #tpu.memory_space<vmem>>
      %dma_start3A_646 = arith.constant 0 : i32
      %dma_start3A_647 = arith.constant 0 : i32
      %dma_start3A_648 = tpu.memref_slice %arg3[%dma_start3A_646, %dma_start3A_647] : memref<100002x128xf32, #tpu.memory_space<hbm>> -> memref<100002x128xf32, #tpu.memory_space<hbm>>
      %dma_start3A_649 = tpu.memref_slice %arg7[%dma_start3A_638] : memref<5x!tpu.dma_semaphore, #tpu.memory_space<semaphore_mem>> -> memref<1x!tpu.dma_semaphore, #tpu.memory_space<semaphore_mem>>
      %dma_start3A_650 = tpu.memref_squeeze %dma_start3A_649 : memref<1x!tpu.dma_semaphore, #tpu.memory_space<semaphore_mem>> -> memref<!tpu.dma_semaphore, #tpu.memory_space<semaphore_mem>>
      tpu.enqueue_indirect_dma source(%dma_start3A_648 : memref<100002x128xf32, #tpu.memory_space<hbm>>) target(%dma_start3A_642 : memref<128x128xf32, #tpu.memory_space<vmem>>) offsets(%dma_start3A_645 : memref<128xi32, #tpu.memory_space<vmem>>) semaphore(%dma_start3A_650 : memref<!tpu.dma_semaphore, #tpu.memory_space<semaphore_mem>>)
      %dma_wait3A_651 = arith.constant 3 : i32
      %dma_wait3A_652 = arith.constant 3 : i32
      %dma_wait3A_653 = arith.constant 0 : i32
      %dma_wait3A_654 = arith.constant 0 : i32
      %dma_wait3A_655 = tpu.memref_slice %arg6[%dma_wait3A_651, %dma_wait3A_653, %dma_wait3A_654] : memref<5x128x128xf32, #tpu.memory_space<vmem>> -> memref<1x128x128xf32, #tpu.memory_space<vmem>>
      %dma_wait3A_656 = tpu.memref_squeeze %dma_wait3A_655 : memref<1x128x128xf32, #tpu.memory_space<vmem>> -> memref<128x128xf32, #tpu.memory_space<vmem>>
      %dma_wait3A_657 = arith.constant 0 : i32
      %dma_wait3A_658 = arith.constant 0 : i32
      %dma_wait3A_659 = tpu.memref_slice %arg4[%dma_wait3A_657, %dma_wait3A_658] : memref<819200x128xf32, #tpu.memory_space<hbm>> -> memref<128x128xf32, #tpu.memory_space<hbm>>
      %dma_wait3A_660 = tpu.memref_slice %arg8[%dma_wait3A_652] : memref<5x!tpu.dma_semaphore, #tpu.memory_space<semaphore_mem>> -> memref<1x!tpu.dma_semaphore, #tpu.memory_space<semaphore_mem>>
      %dma_wait3A_661 = tpu.memref_squeeze %dma_wait3A_660 : memref<1x!tpu.dma_semaphore, #tpu.memory_space<semaphore_mem>> -> memref<!tpu.dma_semaphore, #tpu.memory_space<semaphore_mem>>
      %dma_wait3A_662 = arith.constant 0 : i32
      %dma_wait3A_663 = arith.constant 0 : i32
      %dma_wait3A_664 = tpu.memref_slice %arg4[%dma_wait3A_662, %dma_wait3A_663] : memref<819200x128xf32, #tpu.memory_space<hbm>> -> memref<128x128xf32, #tpu.memory_space<hbm>>
      %dma_wait3A_665 = arith.constant 0 : i32
      %dma_wait3A_666 = arith.constant 0 : i32
      %dma_wait3A_667 = tpu.memref_slice %arg6[%dma_wait3A_651, %dma_wait3A_665, %dma_wait3A_666] : memref<5x128x128xf32, #tpu.memory_space<vmem>> -> memref<1x128x128xf32, #tpu.memory_space<vmem>>
      %dma_wait3A_668 = tpu.memref_squeeze %dma_wait3A_667 : memref<1x128x128xf32, #tpu.memory_space<vmem>> -> memref<128x128xf32, #tpu.memory_space<vmem>>
      tpu.wait_dma2 semaphore(%dma_wait3A_661 : memref<!tpu.dma_semaphore, #tpu.memory_space<semaphore_mem>>) src(%dma_wait3A_668 : memref<128x128xf32, #tpu.memory_space<vmem>>) dst(%dma_wait3A_664 : memref<128x128xf32, #tpu.memory_space<hbm>>)
      %add3A_669 = arith.constant 1 : i32
      %add3A_670 = arith.addi %scan3A_346, %add3A_669 : i32
      %mul3A_671 = arith.constant 5 : i32
      %mul3A_672 = arith.muli %add3A_670, %mul3A_671 : i32
      %add3A_673 = arith.constant 3 : i32
      %add3A_674 = arith.addi %mul3A_672, %add3A_673 : i32
      %dma_start3A_675 = arith.constant 3 : i32
      %dma_start3A_676 = arith.constant 3 : i32
      %dma_start3A_677 = arith.constant 0 : i32
      %dma_start3A_678 = arith.constant 0 : i32
      %dma_start3A_679 = tpu.memref_slice %arg6[%dma_start3A_675, %dma_start3A_677, %dma_start3A_678] : memref<5x128x128xf32, #tpu.memory_space<vmem>> -> memref<1x128x128xf32, #tpu.memory_space<vmem>>
      %dma_start3A_680 = tpu.memref_squeeze %dma_start3A_679 : memref<1x128x128xf32, #tpu.memory_space<vmem>> -> memref<128x128xf32, #tpu.memory_space<vmem>>
      %dma_start3A_681 = arith.constant 0 : i32
      %dma_start3A_682 = tpu.memref_slice %arg5[%add3A_674, %dma_start3A_681] : memref<200x128xi32, #tpu.memory_space<vmem>> -> memref<1x128xi32, #tpu.memory_space<vmem>>
      %dma_start3A_683 = tpu.memref_squeeze %dma_start3A_682 : memref<1x128xi32, #tpu.memory_space<vmem>> -> memref<128xi32, #tpu.memory_space<vmem>>
      %dma_start3A_684 = arith.constant 0 : i32
      %dma_start3A_685 = arith.constant 0 : i32
      %dma_start3A_686 = tpu.memref_slice %arg3[%dma_start3A_684, %dma_start3A_685] : memref<100002x128xf32, #tpu.memory_space<hbm>> -> memref<100002x128xf32, #tpu.memory_space<hbm>>
      %dma_start3A_687 = tpu.memref_slice %arg7[%dma_start3A_676] : memref<5x!tpu.dma_semaphore, #tpu.memory_space<semaphore_mem>> -> memref<1x!tpu.dma_semaphore, #tpu.memory_space<semaphore_mem>>
      %dma_start3A_688 = tpu.memref_squeeze %dma_start3A_687 : memref<1x!tpu.dma_semaphore, #tpu.memory_space<semaphore_mem>> -> memref<!tpu.dma_semaphore, #tpu.memory_space<semaphore_mem>>
      tpu.enqueue_indirect_dma source(%dma_start3A_686 : memref<100002x128xf32, #tpu.memory_space<hbm>>) target(%dma_start3A_680 : memref<128x128xf32, #tpu.memory_space<vmem>>) offsets(%dma_start3A_683 : memref<128xi32, #tpu.memory_space<vmem>>) semaphore(%dma_start3A_688 : memref<!tpu.dma_semaphore, #tpu.memory_space<semaphore_mem>>)
      %dma_wait3A_689 = arith.constant 4 : i32
      %dma_wait3A_690 = arith.constant 4 : i32
      %dma_wait3A_691 = arith.constant 0 : i32
      %dma_wait3A_692 = arith.constant 0 : i32
      %dma_wait3A_693 = tpu.memref_slice %arg6[%dma_wait3A_689, %dma_wait3A_691, %dma_wait3A_692] : memref<5x128x128xf32, #tpu.memory_space<vmem>> -> memref<1x128x128xf32, #tpu.memory_space<vmem>>
      %dma_wait3A_694 = tpu.memref_squeeze %dma_wait3A_693 : memref<1x128x128xf32, #tpu.memory_space<vmem>> -> memref<128x128xf32, #tpu.memory_space<vmem>>
      %dma_wait3A_695 = arith.constant 0 : i32
      %dma_wait3A_696 = arith.constant 0 : i32
      %dma_wait3A_697 = tpu.memref_slice %arg4[%dma_wait3A_695, %dma_wait3A_696] : memref<819200x128xf32, #tpu.memory_space<hbm>> -> memref<128x128xf32, #tpu.memory_space<hbm>>
      %dma_wait3A_698 = tpu.memref_slice %arg8[%dma_wait3A_690] : memref<5x!tpu.dma_semaphore, #tpu.memory_space<semaphore_mem>> -> memref<1x!tpu.dma_semaphore, #tpu.memory_space<semaphore_mem>>
      %dma_wait3A_699 = tpu.memref_squeeze %dma_wait3A_698 : memref<1x!tpu.dma_semaphore, #tpu.memory_space<semaphore_mem>> -> memref<!tpu.dma_semaphore, #tpu.memory_space<semaphore_mem>>
      %dma_wait3A_700 = arith.constant 0 : i32
      %dma_wait3A_701 = arith.constant 0 : i32
      %dma_wait3A_702 = tpu.memref_slice %arg4[%dma_wait3A_700, %dma_wait3A_701] : memref<819200x128xf32, #tpu.memory_space<hbm>> -> memref<128x128xf32, #tpu.memory_space<hbm>>
      %dma_wait3A_703 = arith.constant 0 : i32
      %dma_wait3A_704 = arith.constant 0 : i32
      %dma_wait3A_705 = tpu.memref_slice %arg6[%dma_wait3A_689, %dma_wait3A_703, %dma_wait3A_704] : memref<5x128x128xf32, #tpu.memory_space<vmem>> -> memref<1x128x128xf32, #tpu.memory_space<vmem>>
      %dma_wait3A_706 = tpu.memref_squeeze %dma_wait3A_705 : memref<1x128x128xf32, #tpu.memory_space<vmem>> -> memref<128x128xf32, #tpu.memory_space<vmem>>
      tpu.wait_dma2 semaphore(%dma_wait3A_699 : memref<!tpu.dma_semaphore, #tpu.memory_space<semaphore_mem>>) src(%dma_wait3A_706 : memref<128x128xf32, #tpu.memory_space<vmem>>) dst(%dma_wait3A_702 : memref<128x128xf32, #tpu.memory_space<hbm>>)
      %add3A_707 = arith.constant 1 : i32
      %add3A_708 = arith.addi %scan3A_346, %add3A_707 : i32
      %mul3A_709 = arith.constant 5 : i32
      %mul3A_710 = arith.muli %add3A_708, %mul3A_709 : i32
      %add3A_711 = arith.constant 4 : i32
      %add3A_712 = arith.addi %mul3A_710, %add3A_711 : i32
      %dma_start3A_713 = arith.constant 4 : i32
      %dma_start3A_714 = arith.constant 4 : i32
      %dma_start3A_715 = arith.constant 0 : i32
      %dma_start3A_716 = arith.constant 0 : i32
      %dma_start3A_717 = tpu.memref_slice %arg6[%dma_start3A_713, %dma_start3A_715, %dma_start3A_716] : memref<5x128x128xf32, #tpu.memory_space<vmem>> -> memref<1x128x128xf32, #tpu.memory_space<vmem>>
      %dma_start3A_718 = tpu.memref_squeeze %dma_start3A_717 : memref<1x128x128xf32, #tpu.memory_space<vmem>> -> memref<128x128xf32, #tpu.memory_space<vmem>>
      %dma_start3A_719 = arith.constant 0 : i32
      %dma_start3A_720 = tpu.memref_slice %arg5[%add3A_712, %dma_start3A_719] : memref<200x128xi32, #tpu.memory_space<vmem>> -> memref<1x128xi32, #tpu.memory_space<vmem>>
      %dma_start3A_721 = tpu.memref_squeeze %dma_start3A_720 : memref<1x128xi32, #tpu.memory_space<vmem>> -> memref<128xi32, #tpu.memory_space<vmem>>
      %dma_start3A_722 = arith.constant 0 : i32
      %dma_start3A_723 = arith.constant 0 : i32
      %dma_start3A_724 = tpu.memref_slice %arg3[%dma_start3A_722, %dma_start3A_723] : memref<100002x128xf32, #tpu.memory_space<hbm>> -> memref<100002x128xf32, #tpu.memory_space<hbm>>
      %dma_start3A_725 = tpu.memref_slice %arg7[%dma_start3A_714] : memref<5x!tpu.dma_semaphore, #tpu.memory_space<semaphore_mem>> -> memref<1x!tpu.dma_semaphore, #tpu.memory_space<semaphore_mem>>
      %dma_start3A_726 = tpu.memref_squeeze %dma_start3A_725 : memref<1x!tpu.dma_semaphore, #tpu.memory_space<semaphore_mem>> -> memref<!tpu.dma_semaphore, #tpu.memory_space<semaphore_mem>>
      tpu.enqueue_indirect_dma source(%dma_start3A_724 : memref<100002x128xf32, #tpu.memory_space<hbm>>) target(%dma_start3A_718 : memref<128x128xf32, #tpu.memory_space<vmem>>) offsets(%dma_start3A_721 : memref<128xi32, #tpu.memory_space<vmem>>) semaphore(%dma_start3A_726 : memref<!tpu.dma_semaphore, #tpu.memory_space<semaphore_mem>>)
    }
    %scan3A_81 = arith.constant 39 : i32
    %dma_wait3A = arith.constant 0 : i32
    %dma_wait3A_82 = arith.constant 0 : i32
    %dma_wait3A_83 = arith.constant 0 : i32
    %dma_wait3A_84 = arith.constant 0 : i32
    %dma_wait3A_85 = arith.constant 0 : i32
    %dma_wait3A_86 = tpu.memref_slice %arg6[%dma_wait3A_82, %dma_wait3A_84, %dma_wait3A_85] : memref<5x128x128xf32, #tpu.memory_space<vmem>> -> memref<1x128x128xf32, #tpu.memory_space<vmem>>
    %dma_wait3A_87 = tpu.memref_squeeze %dma_wait3A_86 : memref<1x128x128xf32, #tpu.memory_space<vmem>> -> memref<128x128xf32, #tpu.memory_space<vmem>>
    %dma_wait3A_88 = arith.constant 0 : i32
    %dma_wait3A_89 = tpu.memref_slice %arg5[%dma_wait3A, %dma_wait3A_88] : memref<200x128xi32, #tpu.memory_space<vmem>> -> memref<1x128xi32, #tpu.memory_space<vmem>>
    %dma_wait3A_90 = tpu.memref_squeeze %dma_wait3A_89 : memref<1x128xi32, #tpu.memory_space<vmem>> -> memref<128xi32, #tpu.memory_space<vmem>>
    %dma_wait3A_91 = arith.constant 0 : i32
    %dma_wait3A_92 = arith.constant 0 : i32
    %dma_wait3A_93 = tpu.memref_slice %arg3[%dma_wait3A_91, %dma_wait3A_92] : memref<100002x128xf32, #tpu.memory_space<hbm>> -> memref<100002x128xf32, #tpu.memory_space<hbm>>
    %dma_wait3A_94 = tpu.memref_slice %arg7[%dma_wait3A_83] : memref<5x!tpu.dma_semaphore, #tpu.memory_space<semaphore_mem>> -> memref<1x!tpu.dma_semaphore, #tpu.memory_space<semaphore_mem>>
    %dma_wait3A_95 = tpu.memref_squeeze %dma_wait3A_94 : memref<1x!tpu.dma_semaphore, #tpu.memory_space<semaphore_mem>> -> memref<!tpu.dma_semaphore, #tpu.memory_space<semaphore_mem>>
    tpu.wait_indirect_dma semaphore(%dma_wait3A_95 : memref<!tpu.dma_semaphore, #tpu.memory_space<semaphore_mem>>) src(%dma_wait3A_93 : memref<100002x128xf32, #tpu.memory_space<hbm>>) dst(%dma_wait3A_87 : memref<128x128xf32, #tpu.memory_space<vmem>>)
    %add3A_96 = arith.constant 195 : i32
    %add3A_97 = arith.addi %mul3A_2, %add3A_96 : i32
    %mul3A_98 = arith.constant 128 : i32
    %mul3A_99 = arith.muli %add3A_97, %mul3A_98 : i32
    %dma_start3A_100 = arith.constant 0 : i32
    %dma_start3A_101 = arith.constant 0 : i32
    %dma_start3A_102 = arith.constant 0 : i32
    %dma_start3A_103 = arith.constant 0 : i32
    %dma_start3A_104 = tpu.memref_slice %arg6[%dma_start3A_100, %dma_start3A_102, %dma_start3A_103] : memref<5x128x128xf32, #tpu.memory_space<vmem>> -> memref<1x128x128xf32, #tpu.memory_space<vmem>>
    %dma_start3A_105 = tpu.memref_squeeze %dma_start3A_104 : memref<1x128x128xf32, #tpu.memory_space<vmem>> -> memref<128x128xf32, #tpu.memory_space<vmem>>
    %dma_start3A_106 = arith.constant 0 : i32
    %dma_start3A_107 = tpu.memref_slice %arg4[%mul3A_99, %dma_start3A_106] : memref<819200x128xf32, #tpu.memory_space<hbm>> -> memref<128x128xf32, #tpu.memory_space<hbm>>
    %dma_start3A_108 = tpu.memref_slice %arg8[%dma_start3A_101] : memref<5x!tpu.dma_semaphore, #tpu.memory_space<semaphore_mem>> -> memref<1x!tpu.dma_semaphore, #tpu.memory_space<semaphore_mem>>
    %dma_start3A_109 = tpu.memref_squeeze %dma_start3A_108 : memref<1x!tpu.dma_semaphore, #tpu.memory_space<semaphore_mem>> -> memref<!tpu.dma_semaphore, #tpu.memory_space<semaphore_mem>>
    %dma_start3A_110 = arith.constant 0 : i32
    %dma_start3A_111 = tpu.memref_slice %arg4[%mul3A_99, %dma_start3A_110] : memref<819200x128xf32, #tpu.memory_space<hbm>> -> memref<128x128xf32, #tpu.memory_space<hbm>>
    %dma_start3A_112 = arith.constant 0 : i32
    %dma_start3A_113 = arith.constant 0 : i32
    %dma_start3A_114 = tpu.memref_slice %arg6[%dma_start3A_100, %dma_start3A_112, %dma_start3A_113] : memref<5x128x128xf32, #tpu.memory_space<vmem>> -> memref<1x128x128xf32, #tpu.memory_space<vmem>>
    %dma_start3A_115 = tpu.memref_squeeze %dma_start3A_114 : memref<1x128x128xf32, #tpu.memory_space<vmem>> -> memref<128x128xf32, #tpu.memory_space<vmem>>
    tpu.enqueue_dma source(%dma_start3A_115 : memref<128x128xf32, #tpu.memory_space<vmem>>) target(%dma_start3A_111 : memref<128x128xf32, #tpu.memory_space<hbm>>) target_semaphore(%dma_start3A_109 : memref<!tpu.dma_semaphore, #tpu.memory_space<semaphore_mem>>)
    %dma_wait3A_116 = arith.constant 0 : i32
    %dma_wait3A_117 = arith.constant 1 : i32
    %dma_wait3A_118 = arith.constant 1 : i32
    %dma_wait3A_119 = arith.constant 0 : i32
    %dma_wait3A_120 = arith.constant 0 : i32
    %dma_wait3A_121 = tpu.memref_slice %arg6[%dma_wait3A_117, %dma_wait3A_119, %dma_wait3A_120] : memref<5x128x128xf32, #tpu.memory_space<vmem>> -> memref<1x128x128xf32, #tpu.memory_space<vmem>>
    %dma_wait3A_122 = tpu.memref_squeeze %dma_wait3A_121 : memref<1x128x128xf32, #tpu.memory_space<vmem>> -> memref<128x128xf32, #tpu.memory_space<vmem>>
    %dma_wait3A_123 = arith.constant 0 : i32
    %dma_wait3A_124 = tpu.memref_slice %arg5[%dma_wait3A_116, %dma_wait3A_123] : memref<200x128xi32, #tpu.memory_space<vmem>> -> memref<1x128xi32, #tpu.memory_space<vmem>>
    %dma_wait3A_125 = tpu.memref_squeeze %dma_wait3A_124 : memref<1x128xi32, #tpu.memory_space<vmem>> -> memref<128xi32, #tpu.memory_space<vmem>>
    %dma_wait3A_126 = arith.constant 0 : i32
    %dma_wait3A_127 = arith.constant 0 : i32
    %dma_wait3A_128 = tpu.memref_slice %arg3[%dma_wait3A_126, %dma_wait3A_127] : memref<100002x128xf32, #tpu.memory_space<hbm>> -> memref<100002x128xf32, #tpu.memory_space<hbm>>
    %dma_wait3A_129 = tpu.memref_slice %arg7[%dma_wait3A_118] : memref<5x!tpu.dma_semaphore, #tpu.memory_space<semaphore_mem>> -> memref<1x!tpu.dma_semaphore, #tpu.memory_space<semaphore_mem>>
    %dma_wait3A_130 = tpu.memref_squeeze %dma_wait3A_129 : memref<1x!tpu.dma_semaphore, #tpu.memory_space<semaphore_mem>> -> memref<!tpu.dma_semaphore, #tpu.memory_space<semaphore_mem>>
    tpu.wait_indirect_dma semaphore(%dma_wait3A_130 : memref<!tpu.dma_semaphore, #tpu.memory_space<semaphore_mem>>) src(%dma_wait3A_128 : memref<100002x128xf32, #tpu.memory_space<hbm>>) dst(%dma_wait3A_122 : memref<128x128xf32, #tpu.memory_space<vmem>>)
    %add3A_131 = arith.constant 196 : i32
    %add3A_132 = arith.addi %mul3A_2, %add3A_131 : i32
    %mul3A_133 = arith.constant 128 : i32
    %mul3A_134 = arith.muli %add3A_132, %mul3A_133 : i32
    %dma_start3A_135 = arith.constant 1 : i32
    %dma_start3A_136 = arith.constant 1 : i32
    %dma_start3A_137 = arith.constant 0 : i32
    %dma_start3A_138 = arith.constant 0 : i32
    %dma_start3A_139 = tpu.memref_slice %arg6[%dma_start3A_135, %dma_start3A_137, %dma_start3A_138] : memref<5x128x128xf32, #tpu.memory_space<vmem>> -> memref<1x128x128xf32, #tpu.memory_space<vmem>>
    %dma_start3A_140 = tpu.memref_squeeze %dma_start3A_139 : memref<1x128x128xf32, #tpu.memory_space<vmem>> -> memref<128x128xf32, #tpu.memory_space<vmem>>
    %dma_start3A_141 = arith.constant 0 : i32
    %dma_start3A_142 = tpu.memref_slice %arg4[%mul3A_134, %dma_start3A_141] : memref<819200x128xf32, #tpu.memory_space<hbm>> -> memref<128x128xf32, #tpu.memory_space<hbm>>
    %dma_start3A_143 = tpu.memref_slice %arg8[%dma_start3A_136] : memref<5x!tpu.dma_semaphore, #tpu.memory_space<semaphore_mem>> -> memref<1x!tpu.dma_semaphore, #tpu.memory_space<semaphore_mem>>
    %dma_start3A_144 = tpu.memref_squeeze %dma_start3A_143 : memref<1x!tpu.dma_semaphore, #tpu.memory_space<semaphore_mem>> -> memref<!tpu.dma_semaphore, #tpu.memory_space<semaphore_mem>>
    %dma_start3A_145 = arith.constant 0 : i32
    %dma_start3A_146 = tpu.memref_slice %arg4[%mul3A_134, %dma_start3A_145] : memref<819200x128xf32, #tpu.memory_space<hbm>> -> memref<128x128xf32, #tpu.memory_space<hbm>>
    %dma_start3A_147 = arith.constant 0 : i32
    %dma_start3A_148 = arith.constant 0 : i32
    %dma_start3A_149 = tpu.memref_slice %arg6[%dma_start3A_135, %dma_start3A_147, %dma_start3A_148] : memref<5x128x128xf32, #tpu.memory_space<vmem>> -> memref<1x128x128xf32, #tpu.memory_space<vmem>>
    %dma_start3A_150 = tpu.memref_squeeze %dma_start3A_149 : memref<1x128x128xf32, #tpu.memory_space<vmem>> -> memref<128x128xf32, #tpu.memory_space<vmem>>
    tpu.enqueue_dma source(%dma_start3A_150 : memref<128x128xf32, #tpu.memory_space<vmem>>) target(%dma_start3A_146 : memref<128x128xf32, #tpu.memory_space<hbm>>) target_semaphore(%dma_start3A_144 : memref<!tpu.dma_semaphore, #tpu.memory_space<semaphore_mem>>)
    %dma_wait3A_151 = arith.constant 0 : i32
    %dma_wait3A_152 = arith.constant 2 : i32
    %dma_wait3A_153 = arith.constant 2 : i32
    %dma_wait3A_154 = arith.constant 0 : i32
    %dma_wait3A_155 = arith.constant 0 : i32
    %dma_wait3A_156 = tpu.memref_slice %arg6[%dma_wait3A_152, %dma_wait3A_154, %dma_wait3A_155] : memref<5x128x128xf32, #tpu.memory_space<vmem>> -> memref<1x128x128xf32, #tpu.memory_space<vmem>>
    %dma_wait3A_157 = tpu.memref_squeeze %dma_wait3A_156 : memref<1x128x128xf32, #tpu.memory_space<vmem>> -> memref<128x128xf32, #tpu.memory_space<vmem>>
    %dma_wait3A_158 = arith.constant 0 : i32
    %dma_wait3A_159 = tpu.memref_slice %arg5[%dma_wait3A_151, %dma_wait3A_158] : memref<200x128xi32, #tpu.memory_space<vmem>> -> memref<1x128xi32, #tpu.memory_space<vmem>>
    %dma_wait3A_160 = tpu.memref_squeeze %dma_wait3A_159 : memref<1x128xi32, #tpu.memory_space<vmem>> -> memref<128xi32, #tpu.memory_space<vmem>>
    %dma_wait3A_161 = arith.constant 0 : i32
    %dma_wait3A_162 = arith.constant 0 : i32
    %dma_wait3A_163 = tpu.memref_slice %arg3[%dma_wait3A_161, %dma_wait3A_162] : memref<100002x128xf32, #tpu.memory_space<hbm>> -> memref<100002x128xf32, #tpu.memory_space<hbm>>
    %dma_wait3A_164 = tpu.memref_slice %arg7[%dma_wait3A_153] : memref<5x!tpu.dma_semaphore, #tpu.memory_space<semaphore_mem>> -> memref<1x!tpu.dma_semaphore, #tpu.memory_space<semaphore_mem>>
    %dma_wait3A_165 = tpu.memref_squeeze %dma_wait3A_164 : memref<1x!tpu.dma_semaphore, #tpu.memory_space<semaphore_mem>> -> memref<!tpu.dma_semaphore, #tpu.memory_space<semaphore_mem>>
    tpu.wait_indirect_dma semaphore(%dma_wait3A_165 : memref<!tpu.dma_semaphore, #tpu.memory_space<semaphore_mem>>) src(%dma_wait3A_163 : memref<100002x128xf32, #tpu.memory_space<hbm>>) dst(%dma_wait3A_157 : memref<128x128xf32, #tpu.memory_space<vmem>>)
    %add3A_166 = arith.constant 197 : i32
    %add3A_167 = arith.addi %mul3A_2, %add3A_166 : i32
    %mul3A_168 = arith.constant 128 : i32
    %mul3A_169 = arith.muli %add3A_167, %mul3A_168 : i32
    %dma_start3A_170 = arith.constant 2 : i32
    %dma_start3A_171 = arith.constant 2 : i32
    %dma_start3A_172 = arith.constant 0 : i32
    %dma_start3A_173 = arith.constant 0 : i32
    %dma_start3A_174 = tpu.memref_slice %arg6[%dma_start3A_170, %dma_start3A_172, %dma_start3A_173] : memref<5x128x128xf32, #tpu.memory_space<vmem>> -> memref<1x128x128xf32, #tpu.memory_space<vmem>>
    %dma_start3A_175 = tpu.memref_squeeze %dma_start3A_174 : memref<1x128x128xf32, #tpu.memory_space<vmem>> -> memref<128x128xf32, #tpu.memory_space<vmem>>
    %dma_start3A_176 = arith.constant 0 : i32
    %dma_start3A_177 = tpu.memref_slice %arg4[%mul3A_169, %dma_start3A_176] : memref<819200x128xf32, #tpu.memory_space<hbm>> -> memref<128x128xf32, #tpu.memory_space<hbm>>
    %dma_start3A_178 = tpu.memref_slice %arg8[%dma_start3A_171] : memref<5x!tpu.dma_semaphore, #tpu.memory_space<semaphore_mem>> -> memref<1x!tpu.dma_semaphore, #tpu.memory_space<semaphore_mem>>
    %dma_start3A_179 = tpu.memref_squeeze %dma_start3A_178 : memref<1x!tpu.dma_semaphore, #tpu.memory_space<semaphore_mem>> -> memref<!tpu.dma_semaphore, #tpu.memory_space<semaphore_mem>>
    %dma_start3A_180 = arith.constant 0 : i32
    %dma_start3A_181 = tpu.memref_slice %arg4[%mul3A_169, %dma_start3A_180] : memref<819200x128xf32, #tpu.memory_space<hbm>> -> memref<128x128xf32, #tpu.memory_space<hbm>>
    %dma_start3A_182 = arith.constant 0 : i32
    %dma_start3A_183 = arith.constant 0 : i32
    %dma_start3A_184 = tpu.memref_slice %arg6[%dma_start3A_170, %dma_start3A_182, %dma_start3A_183] : memref<5x128x128xf32, #tpu.memory_space<vmem>> -> memref<1x128x128xf32, #tpu.memory_space<vmem>>
    %dma_start3A_185 = tpu.memref_squeeze %dma_start3A_184 : memref<1x128x128xf32, #tpu.memory_space<vmem>> -> memref<128x128xf32, #tpu.memory_space<vmem>>
    tpu.enqueue_dma source(%dma_start3A_185 : memref<128x128xf32, #tpu.memory_space<vmem>>) target(%dma_start3A_181 : memref<128x128xf32, #tpu.memory_space<hbm>>) target_semaphore(%dma_start3A_179 : memref<!tpu.dma_semaphore, #tpu.memory_space<semaphore_mem>>)
    %dma_wait3A_186 = arith.constant 0 : i32
    %dma_wait3A_187 = arith.constant 3 : i32
    %dma_wait3A_188 = arith.constant 3 : i32
    %dma_wait3A_189 = arith.constant 0 : i32
    %dma_wait3A_190 = arith.constant 0 : i32
    %dma_wait3A_191 = tpu.memref_slice %arg6[%dma_wait3A_187, %dma_wait3A_189, %dma_wait3A_190] : memref<5x128x128xf32, #tpu.memory_space<vmem>> -> memref<1x128x128xf32, #tpu.memory_space<vmem>>
    %dma_wait3A_192 = tpu.memref_squeeze %dma_wait3A_191 : memref<1x128x128xf32, #tpu.memory_space<vmem>> -> memref<128x128xf32, #tpu.memory_space<vmem>>
    %dma_wait3A_193 = arith.constant 0 : i32
    %dma_wait3A_194 = tpu.memref_slice %arg5[%dma_wait3A_186, %dma_wait3A_193] : memref<200x128xi32, #tpu.memory_space<vmem>> -> memref<1x128xi32, #tpu.memory_space<vmem>>
    %dma_wait3A_195 = tpu.memref_squeeze %dma_wait3A_194 : memref<1x128xi32, #tpu.memory_space<vmem>> -> memref<128xi32, #tpu.memory_space<vmem>>
    %dma_wait3A_196 = arith.constant 0 : i32
    %dma_wait3A_197 = arith.constant 0 : i32
    %dma_wait3A_198 = tpu.memref_slice %arg3[%dma_wait3A_196, %dma_wait3A_197] : memref<100002x128xf32, #tpu.memory_space<hbm>> -> memref<100002x128xf32, #tpu.memory_space<hbm>>
    %dma_wait3A_199 = tpu.memref_slice %arg7[%dma_wait3A_188] : memref<5x!tpu.dma_semaphore, #tpu.memory_space<semaphore_mem>> -> memref<1x!tpu.dma_semaphore, #tpu.memory_space<semaphore_mem>>
    %dma_wait3A_200 = tpu.memref_squeeze %dma_wait3A_199 : memref<1x!tpu.dma_semaphore, #tpu.memory_space<semaphore_mem>> -> memref<!tpu.dma_semaphore, #tpu.memory_space<semaphore_mem>>
    tpu.wait_indirect_dma semaphore(%dma_wait3A_200 : memref<!tpu.dma_semaphore, #tpu.memory_space<semaphore_mem>>) src(%dma_wait3A_198 : memref<100002x128xf32, #tpu.memory_space<hbm>>) dst(%dma_wait3A_192 : memref<128x128xf32, #tpu.memory_space<vmem>>)
    %add3A_201 = arith.constant 198 : i32
    %add3A_202 = arith.addi %mul3A_2, %add3A_201 : i32
    %mul3A_203 = arith.constant 128 : i32
    %mul3A_204 = arith.muli %add3A_202, %mul3A_203 : i32
    %dma_start3A_205 = arith.constant 3 : i32
    %dma_start3A_206 = arith.constant 3 : i32
    %dma_start3A_207 = arith.constant 0 : i32
    %dma_start3A_208 = arith.constant 0 : i32
    %dma_start3A_209 = tpu.memref_slice %arg6[%dma_start3A_205, %dma_start3A_207, %dma_start3A_208] : memref<5x128x128xf32, #tpu.memory_space<vmem>> -> memref<1x128x128xf32, #tpu.memory_space<vmem>>
    %dma_start3A_210 = tpu.memref_squeeze %dma_start3A_209 : memref<1x128x128xf32, #tpu.memory_space<vmem>> -> memref<128x128xf32, #tpu.memory_space<vmem>>
    %dma_start3A_211 = arith.constant 0 : i32
    %dma_start3A_212 = tpu.memref_slice %arg4[%mul3A_204, %dma_start3A_211] : memref<819200x128xf32, #tpu.memory_space<hbm>> -> memref<128x128xf32, #tpu.memory_space<hbm>>
    %dma_start3A_213 = tpu.memref_slice %arg8[%dma_start3A_206] : memref<5x!tpu.dma_semaphore, #tpu.memory_space<semaphore_mem>> -> memref<1x!tpu.dma_semaphore, #tpu.memory_space<semaphore_mem>>
    %dma_start3A_214 = tpu.memref_squeeze %dma_start3A_213 : memref<1x!tpu.dma_semaphore, #tpu.memory_space<semaphore_mem>> -> memref<!tpu.dma_semaphore, #tpu.memory_space<semaphore_mem>>
    %dma_start3A_215 = arith.constant 0 : i32
    %dma_start3A_216 = tpu.memref_slice %arg4[%mul3A_204, %dma_start3A_215] : memref<819200x128xf32, #tpu.memory_space<hbm>> -> memref<128x128xf32, #tpu.memory_space<hbm>>
    %dma_start3A_217 = arith.constant 0 : i32
    %dma_start3A_218 = arith.constant 0 : i32
    %dma_start3A_219 = tpu.memref_slice %arg6[%dma_start3A_205, %dma_start3A_217, %dma_start3A_218] : memref<5x128x128xf32, #tpu.memory_space<vmem>> -> memref<1x128x128xf32, #tpu.memory_space<vmem>>
    %dma_start3A_220 = tpu.memref_squeeze %dma_start3A_219 : memref<1x128x128xf32, #tpu.memory_space<vmem>> -> memref<128x128xf32, #tpu.memory_space<vmem>>
    tpu.enqueue_dma source(%dma_start3A_220 : memref<128x128xf32, #tpu.memory_space<vmem>>) target(%dma_start3A_216 : memref<128x128xf32, #tpu.memory_space<hbm>>) target_semaphore(%dma_start3A_214 : memref<!tpu.dma_semaphore, #tpu.memory_space<semaphore_mem>>)
    %dma_wait3A_221 = arith.constant 0 : i32
    %dma_wait3A_222 = arith.constant 4 : i32
    %dma_wait3A_223 = arith.constant 4 : i32
    %dma_wait3A_224 = arith.constant 0 : i32
    %dma_wait3A_225 = arith.constant 0 : i32
    %dma_wait3A_226 = tpu.memref_slice %arg6[%dma_wait3A_222, %dma_wait3A_224, %dma_wait3A_225] : memref<5x128x128xf32, #tpu.memory_space<vmem>> -> memref<1x128x128xf32, #tpu.memory_space<vmem>>
    %dma_wait3A_227 = tpu.memref_squeeze %dma_wait3A_226 : memref<1x128x128xf32, #tpu.memory_space<vmem>> -> memref<128x128xf32, #tpu.memory_space<vmem>>
    %dma_wait3A_228 = arith.constant 0 : i32
    %dma_wait3A_229 = tpu.memref_slice %arg5[%dma_wait3A_221, %dma_wait3A_228] : memref<200x128xi32, #tpu.memory_space<vmem>> -> memref<1x128xi32, #tpu.memory_space<vmem>>
    %dma_wait3A_230 = tpu.memref_squeeze %dma_wait3A_229 : memref<1x128xi32, #tpu.memory_space<vmem>> -> memref<128xi32, #tpu.memory_space<vmem>>
    %dma_wait3A_231 = arith.constant 0 : i32
    %dma_wait3A_232 = arith.constant 0 : i32
    %dma_wait3A_233 = tpu.memref_slice %arg3[%dma_wait3A_231, %dma_wait3A_232] : memref<100002x128xf32, #tpu.memory_space<hbm>> -> memref<100002x128xf32, #tpu.memory_space<hbm>>
    %dma_wait3A_234 = tpu.memref_slice %arg7[%dma_wait3A_223] : memref<5x!tpu.dma_semaphore, #tpu.memory_space<semaphore_mem>> -> memref<1x!tpu.dma_semaphore, #tpu.memory_space<semaphore_mem>>
    %dma_wait3A_235 = tpu.memref_squeeze %dma_wait3A_234 : memref<1x!tpu.dma_semaphore, #tpu.memory_space<semaphore_mem>> -> memref<!tpu.dma_semaphore, #tpu.memory_space<semaphore_mem>>
    tpu.wait_indirect_dma semaphore(%dma_wait3A_235 : memref<!tpu.dma_semaphore, #tpu.memory_space<semaphore_mem>>) src(%dma_wait3A_233 : memref<100002x128xf32, #tpu.memory_space<hbm>>) dst(%dma_wait3A_227 : memref<128x128xf32, #tpu.memory_space<vmem>>)
    %add3A_236 = arith.constant 199 : i32
    %add3A_237 = arith.addi %mul3A_2, %add3A_236 : i32
    %mul3A_238 = arith.constant 128 : i32
    %mul3A_239 = arith.muli %add3A_237, %mul3A_238 : i32
    %dma_start3A_240 = arith.constant 4 : i32
    %dma_start3A_241 = arith.constant 4 : i32
    %dma_start3A_242 = arith.constant 0 : i32
    %dma_start3A_243 = arith.constant 0 : i32
    %dma_start3A_244 = tpu.memref_slice %arg6[%dma_start3A_240, %dma_start3A_242, %dma_start3A_243] : memref<5x128x128xf32, #tpu.memory_space<vmem>> -> memref<1x128x128xf32, #tpu.memory_space<vmem>>
    %dma_start3A_245 = tpu.memref_squeeze %dma_start3A_244 : memref<1x128x128xf32, #tpu.memory_space<vmem>> -> memref<128x128xf32, #tpu.memory_space<vmem>>
    %dma_start3A_246 = arith.constant 0 : i32
    %dma_start3A_247 = tpu.memref_slice %arg4[%mul3A_239, %dma_start3A_246] : memref<819200x128xf32, #tpu.memory_space<hbm>> -> memref<128x128xf32, #tpu.memory_space<hbm>>
    %dma_start3A_248 = tpu.memref_slice %arg8[%dma_start3A_241] : memref<5x!tpu.dma_semaphore, #tpu.memory_space<semaphore_mem>> -> memref<1x!tpu.dma_semaphore, #tpu.memory_space<semaphore_mem>>
    %dma_start3A_249 = tpu.memref_squeeze %dma_start3A_248 : memref<1x!tpu.dma_semaphore, #tpu.memory_space<semaphore_mem>> -> memref<!tpu.dma_semaphore, #tpu.memory_space<semaphore_mem>>
    %dma_start3A_250 = arith.constant 0 : i32
    %dma_start3A_251 = tpu.memref_slice %arg4[%mul3A_239, %dma_start3A_250] : memref<819200x128xf32, #tpu.memory_space<hbm>> -> memref<128x128xf32, #tpu.memory_space<hbm>>
    %dma_start3A_252 = arith.constant 0 : i32
    %dma_start3A_253 = arith.constant 0 : i32
    %dma_start3A_254 = tpu.memref_slice %arg6[%dma_start3A_240, %dma_start3A_252, %dma_start3A_253] : memref<5x128x128xf32, #tpu.memory_space<vmem>> -> memref<1x128x128xf32, #tpu.memory_space<vmem>>
    %dma_start3A_255 = tpu.memref_squeeze %dma_start3A_254 : memref<1x128x128xf32, #tpu.memory_space<vmem>> -> memref<128x128xf32, #tpu.memory_space<vmem>>
    tpu.enqueue_dma source(%dma_start3A_255 : memref<128x128xf32, #tpu.memory_space<vmem>>) target(%dma_start3A_251 : memref<128x128xf32, #tpu.memory_space<hbm>>) target_semaphore(%dma_start3A_249 : memref<!tpu.dma_semaphore, #tpu.memory_space<semaphore_mem>>)
    %dma_wait3A_256 = arith.constant 0 : i32
    %dma_wait3A_257 = arith.constant 0 : i32
    %dma_wait3A_258 = arith.constant 0 : i32
    %dma_wait3A_259 = arith.constant 0 : i32
    %dma_wait3A_260 = tpu.memref_slice %arg6[%dma_wait3A_256, %dma_wait3A_258, %dma_wait3A_259] : memref<5x128x128xf32, #tpu.memory_space<vmem>> -> memref<1x128x128xf32, #tpu.memory_space<vmem>>
    %dma_wait3A_261 = tpu.memref_squeeze %dma_wait3A_260 : memref<1x128x128xf32, #tpu.memory_space<vmem>> -> memref<128x128xf32, #tpu.memory_space<vmem>>
    %dma_wait3A_262 = arith.constant 0 : i32
    %dma_wait3A_263 = arith.constant 0 : i32
    %dma_wait3A_264 = tpu.memref_slice %arg4[%dma_wait3A_262, %dma_wait3A_263] : memref<819200x128xf32, #tpu.memory_space<hbm>> -> memref<128x128xf32, #tpu.memory_space<hbm>>
    %dma_wait3A_265 = tpu.memref_slice %arg8[%dma_wait3A_257] : memref<5x!tpu.dma_semaphore, #tpu.memory_space<semaphore_mem>> -> memref<1x!tpu.dma_semaphore, #tpu.memory_space<semaphore_mem>>
    %dma_wait3A_266 = tpu.memref_squeeze %dma_wait3A_265 : memref<1x!tpu.dma_semaphore, #tpu.memory_space<semaphore_mem>> -> memref<!tpu.dma_semaphore, #tpu.memory_space<semaphore_mem>>
    %dma_wait3A_267 = arith.constant 0 : i32
    %dma_wait3A_268 = arith.constant 0 : i32
    %dma_wait3A_269 = tpu.memref_slice %arg4[%dma_wait3A_267, %dma_wait3A_268] : memref<819200x128xf32, #tpu.memory_space<hbm>> -> memref<128x128xf32, #tpu.memory_space<hbm>>
    %dma_wait3A_270 = arith.constant 0 : i32
    %dma_wait3A_271 = arith.constant 0 : i32
    %dma_wait3A_272 = tpu.memref_slice %arg6[%dma_wait3A_256, %dma_wait3A_270, %dma_wait3A_271] : memref<5x128x128xf32, #tpu.memory_space<vmem>> -> memref<1x128x128xf32, #tpu.memory_space<vmem>>
    %dma_wait3A_273 = tpu.memref_squeeze %dma_wait3A_272 : memref<1x128x128xf32, #tpu.memory_space<vmem>> -> memref<128x128xf32, #tpu.memory_space<vmem>>
    tpu.wait_dma2 semaphore(%dma_wait3A_266 : memref<!tpu.dma_semaphore, #tpu.memory_space<semaphore_mem>>) src(%dma_wait3A_273 : memref<128x128xf32, #tpu.memory_space<vmem>>) dst(%dma_wait3A_269 : memref<128x128xf32, #tpu.memory_space<hbm>>)
    %dma_wait3A_274 = arith.constant 1 : i32
    %dma_wait3A_275 = arith.constant 1 : i32
    %dma_wait3A_276 = arith.constant 0 : i32
    %dma_wait3A_277 = arith.constant 0 : i32
    %dma_wait3A_278 = tpu.memref_slice %arg6[%dma_wait3A_274, %dma_wait3A_276, %dma_wait3A_277] : memref<5x128x128xf32, #tpu.memory_space<vmem>> -> memref<1x128x128xf32, #tpu.memory_space<vmem>>
    %dma_wait3A_279 = tpu.memref_squeeze %dma_wait3A_278 : memref<1x128x128xf32, #tpu.memory_space<vmem>> -> memref<128x128xf32, #tpu.memory_space<vmem>>
    %dma_wait3A_280 = arith.constant 0 : i32
    %dma_wait3A_281 = arith.constant 0 : i32
    %dma_wait3A_282 = tpu.memref_slice %arg4[%dma_wait3A_280, %dma_wait3A_281] : memref<819200x128xf32, #tpu.memory_space<hbm>> -> memref<128x128xf32, #tpu.memory_space<hbm>>
    %dma_wait3A_283 = tpu.memref_slice %arg8[%dma_wait3A_275] : memref<5x!tpu.dma_semaphore, #tpu.memory_space<semaphore_mem>> -> memref<1x!tpu.dma_semaphore, #tpu.memory_space<semaphore_mem>>
    %dma_wait3A_284 = tpu.memref_squeeze %dma_wait3A_283 : memref<1x!tpu.dma_semaphore, #tpu.memory_space<semaphore_mem>> -> memref<!tpu.dma_semaphore, #tpu.memory_space<semaphore_mem>>
    %dma_wait3A_285 = arith.constant 0 : i32
    %dma_wait3A_286 = arith.constant 0 : i32
    %dma_wait3A_287 = tpu.memref_slice %arg4[%dma_wait3A_285, %dma_wait3A_286] : memref<819200x128xf32, #tpu.memory_space<hbm>> -> memref<128x128xf32, #tpu.memory_space<hbm>>
    %dma_wait3A_288 = arith.constant 0 : i32
    %dma_wait3A_289 = arith.constant 0 : i32
    %dma_wait3A_290 = tpu.memref_slice %arg6[%dma_wait3A_274, %dma_wait3A_288, %dma_wait3A_289] : memref<5x128x128xf32, #tpu.memory_space<vmem>> -> memref<1x128x128xf32, #tpu.memory_space<vmem>>
    %dma_wait3A_291 = tpu.memref_squeeze %dma_wait3A_290 : memref<1x128x128xf32, #tpu.memory_space<vmem>> -> memref<128x128xf32, #tpu.memory_space<vmem>>
    tpu.wait_dma2 semaphore(%dma_wait3A_284 : memref<!tpu.dma_semaphore, #tpu.memory_space<semaphore_mem>>) src(%dma_wait3A_291 : memref<128x128xf32, #tpu.memory_space<vmem>>) dst(%dma_wait3A_287 : memref<128x128xf32, #tpu.memory_space<hbm>>)
    %dma_wait3A_292 = arith.constant 2 : i32
    %dma_wait3A_293 = arith.constant 2 : i32
    %dma_wait3A_294 = arith.constant 0 : i32
    %dma_wait3A_295 = arith.constant 0 : i32
    %dma_wait3A_296 = tpu.memref_slice %arg6[%dma_wait3A_292, %dma_wait3A_294, %dma_wait3A_295] : memref<5x128x128xf32, #tpu.memory_space<vmem>> -> memref<1x128x128xf32, #tpu.memory_space<vmem>>
    %dma_wait3A_297 = tpu.memref_squeeze %dma_wait3A_296 : memref<1x128x128xf32, #tpu.memory_space<vmem>> -> memref<128x128xf32, #tpu.memory_space<vmem>>
    %dma_wait3A_298 = arith.constant 0 : i32
    %dma_wait3A_299 = arith.constant 0 : i32
    %dma_wait3A_300 = tpu.memref_slice %arg4[%dma_wait3A_298, %dma_wait3A_299] : memref<819200x128xf32, #tpu.memory_space<hbm>> -> memref<128x128xf32, #tpu.memory_space<hbm>>
    %dma_wait3A_301 = tpu.memref_slice %arg8[%dma_wait3A_293] : memref<5x!tpu.dma_semaphore, #tpu.memory_space<semaphore_mem>> -> memref<1x!tpu.dma_semaphore, #tpu.memory_space<semaphore_mem>>
    %dma_wait3A_302 = tpu.memref_squeeze %dma_wait3A_301 : memref<1x!tpu.dma_semaphore, #tpu.memory_space<semaphore_mem>> -> memref<!tpu.dma_semaphore, #tpu.memory_space<semaphore_mem>>
    %dma_wait3A_303 = arith.constant 0 : i32
    %dma_wait3A_304 = arith.constant 0 : i32
    %dma_wait3A_305 = tpu.memref_slice %arg4[%dma_wait3A_303, %dma_wait3A_304] : memref<819200x128xf32, #tpu.memory_space<hbm>> -> memref<128x128xf32, #tpu.memory_space<hbm>>
    %dma_wait3A_306 = arith.constant 0 : i32
    %dma_wait3A_307 = arith.constant 0 : i32
    %dma_wait3A_308 = tpu.memref_slice %arg6[%dma_wait3A_292, %dma_wait3A_306, %dma_wait3A_307] : memref<5x128x128xf32, #tpu.memory_space<vmem>> -> memref<1x128x128xf32, #tpu.memory_space<vmem>>
    %dma_wait3A_309 = tpu.memref_squeeze %dma_wait3A_308 : memref<1x128x128xf32, #tpu.memory_space<vmem>> -> memref<128x128xf32, #tpu.memory_space<vmem>>
    tpu.wait_dma2 semaphore(%dma_wait3A_302 : memref<!tpu.dma_semaphore, #tpu.memory_space<semaphore_mem>>) src(%dma_wait3A_309 : memref<128x128xf32, #tpu.memory_space<vmem>>) dst(%dma_wait3A_305 : memref<128x128xf32, #tpu.memory_space<hbm>>)
    %dma_wait3A_310 = arith.constant 3 : i32
    %dma_wait3A_311 = arith.constant 3 : i32
    %dma_wait3A_312 = arith.constant 0 : i32
    %dma_wait3A_313 = arith.constant 0 : i32
    %dma_wait3A_314 = tpu.memref_slice %arg6[%dma_wait3A_310, %dma_wait3A_312, %dma_wait3A_313] : memref<5x128x128xf32, #tpu.memory_space<vmem>> -> memref<1x128x128xf32, #tpu.memory_space<vmem>>
    %dma_wait3A_315 = tpu.memref_squeeze %dma_wait3A_314 : memref<1x128x128xf32, #tpu.memory_space<vmem>> -> memref<128x128xf32, #tpu.memory_space<vmem>>
    %dma_wait3A_316 = arith.constant 0 : i32
    %dma_wait3A_317 = arith.constant 0 : i32
    %dma_wait3A_318 = tpu.memref_slice %arg4[%dma_wait3A_316, %dma_wait3A_317] : memref<819200x128xf32, #tpu.memory_space<hbm>> -> memref<128x128xf32, #tpu.memory_space<hbm>>
    %dma_wait3A_319 = tpu.memref_slice %arg8[%dma_wait3A_311] : memref<5x!tpu.dma_semaphore, #tpu.memory_space<semaphore_mem>> -> memref<1x!tpu.dma_semaphore, #tpu.memory_space<semaphore_mem>>
    %dma_wait3A_320 = tpu.memref_squeeze %dma_wait3A_319 : memref<1x!tpu.dma_semaphore, #tpu.memory_space<semaphore_mem>> -> memref<!tpu.dma_semaphore, #tpu.memory_space<semaphore_mem>>
    %dma_wait3A_321 = arith.constant 0 : i32
    %dma_wait3A_322 = arith.constant 0 : i32
    %dma_wait3A_323 = tpu.memref_slice %arg4[%dma_wait3A_321, %dma_wait3A_322] : memref<819200x128xf32, #tpu.memory_space<hbm>> -> memref<128x128xf32, #tpu.memory_space<hbm>>
    %dma_wait3A_324 = arith.constant 0 : i32
    %dma_wait3A_325 = arith.constant 0 : i32
    %dma_wait3A_326 = tpu.memref_slice %arg6[%dma_wait3A_310, %dma_wait3A_324, %dma_wait3A_325] : memref<5x128x128xf32, #tpu.memory_space<vmem>> -> memref<1x128x128xf32, #tpu.memory_space<vmem>>
    %dma_wait3A_327 = tpu.memref_squeeze %dma_wait3A_326 : memref<1x128x128xf32, #tpu.memory_space<vmem>> -> memref<128x128xf32, #tpu.memory_space<vmem>>
    tpu.wait_dma2 semaphore(%dma_wait3A_320 : memref<!tpu.dma_semaphore, #tpu.memory_space<semaphore_mem>>) src(%dma_wait3A_327 : memref<128x128xf32, #tpu.memory_space<vmem>>) dst(%dma_wait3A_323 : memref<128x128xf32, #tpu.memory_space<hbm>>)
    %dma_wait3A_328 = arith.constant 4 : i32
    %dma_wait3A_329 = arith.constant 4 : i32
    %dma_wait3A_330 = arith.constant 0 : i32
    %dma_wait3A_331 = arith.constant 0 : i32
    %dma_wait3A_332 = tpu.memref_slice %arg6[%dma_wait3A_328, %dma_wait3A_330, %dma_wait3A_331] : memref<5x128x128xf32, #tpu.memory_space<vmem>> -> memref<1x128x128xf32, #tpu.memory_space<vmem>>
    %dma_wait3A_333 = tpu.memref_squeeze %dma_wait3A_332 : memref<1x128x128xf32, #tpu.memory_space<vmem>> -> memref<128x128xf32, #tpu.memory_space<vmem>>
    %dma_wait3A_334 = arith.constant 0 : i32
    %dma_wait3A_335 = arith.constant 0 : i32
    %dma_wait3A_336 = tpu.memref_slice %arg4[%dma_wait3A_334, %dma_wait3A_335] : memref<819200x128xf32, #tpu.memory_space<hbm>> -> memref<128x128xf32, #tpu.memory_space<hbm>>
    %dma_wait3A_337 = tpu.memref_slice %arg8[%dma_wait3A_329] : memref<5x!tpu.dma_semaphore, #tpu.memory_space<semaphore_mem>> -> memref<1x!tpu.dma_semaphore, #tpu.memory_space<semaphore_mem>>
    %dma_wait3A_338 = tpu.memref_squeeze %dma_wait3A_337 : memref<1x!tpu.dma_semaphore, #tpu.memory_space<semaphore_mem>> -> memref<!tpu.dma_semaphore, #tpu.memory_space<semaphore_mem>>
    %dma_wait3A_339 = arith.constant 0 : i32
    %dma_wait3A_340 = arith.constant 0 : i32
    %dma_wait3A_341 = tpu.memref_slice %arg4[%dma_wait3A_339, %dma_wait3A_340] : memref<819200x128xf32, #tpu.memory_space<hbm>> -> memref<128x128xf32, #tpu.memory_space<hbm>>
    %dma_wait3A_342 = arith.constant 0 : i32
    %dma_wait3A_343 = arith.constant 0 : i32
    %dma_wait3A_344 = tpu.memref_slice %arg6[%dma_wait3A_328, %dma_wait3A_342, %dma_wait3A_343] : memref<5x128x128xf32, #tpu.memory_space<vmem>> -> memref<1x128x128xf32, #tpu.memory_space<vmem>>
    %dma_wait3A_345 = tpu.memref_squeeze %dma_wait3A_344 : memref<1x128x128xf32, #tpu.memory_space<vmem>> -> memref<128x128xf32, #tpu.memory_space<vmem>>
    tpu.wait_dma2 semaphore(%dma_wait3A_338 : memref<!tpu.dma_semaphore, #tpu.memory_space<semaphore_mem>>) src(%dma_wait3A_345 : memref<128x128xf32, #tpu.memory_space<vmem>>) dst(%dma_wait3A_341 : memref<128x128xf32, #tpu.memory_space<hbm>>)
    return
  }
}

</mosaic_0001>

<sc_bundles>
// kernel: _gather.3.cloned.1.call-start
scs
__scs_entry_jumppad:
0x0: {  	(pc) =	sbr.rel $0x88, $3  }
0x1: {  	(tag) =	ssettag $0x0;
	lr =	simm.s32 $0x1  }
0x2: {  	[smem:$0x3F9F] =	sst lr;
	_ =	strace $0xD0000000  }
0x3: {  	_ = 	snop  }
0x4: {  	_ = 	snop  }
0x5: {  	_ = 	snop  }
0x6: {  	_ = 	snop  }
0x7: {  	_ = 	snop  }
__scs_overlays_trampoline_lowered:
0x8: {  	[smem:$0x3FAE] =	sst s0  }
0x9: {  	[smem:$0x3FAF] =	sst s1  }
0xa: {  	[smem:$0x3FB0] =	sst s2  }
0xb: {  	[smem:$0x3FB1] =	sst s3  }
0xc: {  	[smem:$0x3FB2] =	sst s4  }
0xd: {  	[smem:$0x3FB3] =	sst s5  }
0xe: {  	[smem:$0x3FB4] =	sst s6  }
0xf: {  	[smem:$0x3FB5] =	sst s7  }
0x10: {  	[smem:$0x3FB6] =	sst s8  }
0x11: {  	[smem:$0x3FB7] =	sst s9;
	s0 =	simm.s32 @!p0 $0x0  }
0x12: {  	s1 =	sld [smem:$0x3F9D];
	s0 =	simm.s32 @p0 $0x1  }
0x13: {  	[smem:$0x3FB8] =	sst s0;
	s0 =	simm.s32 @!p1 $0x0  }
0x14: {  	s2 =	sld [smem:$0x3F9C];
	s0 =	simm.s32 @p1 $0x1  }
0x15: {  	[smem:$0x3FB9] =	sst s0;
	s0 =	simm.s32 @!p2 $0x0  }
0x16: {  	s3 =	sld [smem:$0x3FDB];
	s0 =	simm.s32 @p2 $0x1  }
0x17: {  	s4 =	simm.s32 $0x1BF5;
	[smem:$0x3FBB] =	sst s0  }
0x18: {  	s0 =	sld [smem:$0x3F9E];
	_ =	swait.ge [sflag:s4], $0x0  }
0x19: {  	s7 =	sld [smem:$0x3F9F]  }
0x1a: {  	s8 =	sadd.s32 $0xFFFFE003, lr  }
0x1b: {  	s9 =	sadd.s32 $0xFFFFFEF7, lr;
	s5 =	simm.s32 $0xFFFFFFFF;
	p2 =	slt.u32 s8, $0xFFFFF086  }
0x1c: {  	p1 =	slt.u32 s9, $0xF7A;
	s5 =	simm.s32 @!p2 $0x0  }
0x1d: {  	s5 =	simm.s32 @p1 $0x1;
	p0 =	seq.s32 s7, s2  }
0x1e: {  	s7 =	smul.u32 @!p0 $0xF7A, s2;
	p2 =	seq.s32 @!p0 s5, $0x0  }
0x1f: {  	s9 =	smul.u32 $0xF7A, s1;
	s8 =	simm.s32 @!p0 $0x1BF5;
	p2 =	por !p2, p0  }
0x20: {  	[sflag:s8] =	ssyncset.s32 @!p0 $0xFFFFF086;
	s6 =	sadd.s32 @!p0 s3, s7;
	s7 =	simm.s32 @!p0 $0x108  }
0x21: {  	s3 =	sadd.s32 s3, s9;
	s6 =	sadd.s32 @!p0 $0x88, s6;
	s7 =	simm.s32 @p2 $0x1082  }
0x22: {  	[simem:s7], [sflag:s8] =	dma.local @!p0 [hbm:s6], $0xF7A  }
0x23: {  	s9 =	sor.u32 $0xD0000000, s2;
	s6 =	simm.s32 $0x108;
	_ =	swait.ge @!p0 [sflag:s8], $0x0  }
0x24: {  	s3 =	sadd.s32 $0x88, s3;
	s6 =	simm.s32 @!p1 $0x1082;
	[sflag:s4] =	ssyncset.s32 $0xFFFFF086  }
0x25: {  	[simem:s6], [sflag:s4] =	dma.local [hbm:s3], $0xF7A  }
0x26: {  	[smem:$0x3F9F] =	sst s1;
	(tag) =	ssettag s2;
	_ =	strace s9  }
0x27: {  	s1 =	sld [smem:$0x3FAF]  }
0x28: {  	s2 =	sld [smem:$0x3FB0]  }
0x29: {  	s4 =	sld [smem:$0x3FB2]  }
0x2a: {  	p0 =	seq.s32 s5, $0x0;
	s5 =	sld [smem:$0x3FB3]  }
0x2b: {  	s6 =	sld [smem:$0x3FB4]  }
0x2c: {  	s7 =	sld [smem:$0x3FB5]  }
0x2d: {  	s3 =	simm.s32 $0x108;
	s8 =	sld [smem:$0x3FB6]  }
0x2e: {  	s3 =	simm.s32 @!p0 $0x1082;
	s9 =	sld [smem:$0x3FB7]  }
0x2f: {  	lr =	sadd.s32 s0, s3;
	s0 =	sld [smem:$0x3FAE]  }
0x30: {  	s3 =	sld [smem:$0x3FB1]  }
0x31: {  	[smem:$0x3FBA] =	sst s10  }
0x32: {  	s10 =	sld [smem:$0x3FB8];
	_ =	sdelay $0x3  }
0x33: {  	p0 =	seq.s32 s10, $0x1;
	s10 =	sld [smem:$0x3FBA];
	_ =	sdelay $0x3  }
0x34: {  	[smem:$0x3FBA] =	sst s10  }
0x35: {  	s10 =	sld [smem:$0x3FB9];
	_ =	sdelay $0x3  }
0x36: {  	p1 =	seq.s32 s10, $0x1;
	s10 =	sld [smem:$0x3FBA];
	_ =	sdelay $0x3  }
0x37: {  	[smem:$0x3FBA] =	sst s10  }
0x38: {  	s10 =	sld [smem:$0x3FBB]  }
0x39: {  	_ = 	snop;
	(pc) =	sbr.ind lr, $3  }
0x3a: {  	_ = 	snop  }
0x3b: {  	_ = 	snop  }
0x3c: {  	p2 =	seq.s32 s10, $0x1;
	s10 =	sld [smem:$0x3FBA]  }
0x3d: {  	_ =	shalt  }
0x3e: {  	_ =	shalt  }
0x3f: {  	_ =	shalt  }
0x40: {  	_ =	shalt  }
0x41: {  	_ =	shalt  }
0x42: {  	_ =	shalt  }
0x43: {  	_ =	shalt  }
0x44: {  	_ =	shalt  }
0x45: {  	_ =	shalt  }
0x46: {  	_ =	shalt  }
0x47: {  	_ =	shalt  }
0x48: {  	_ =	shalt  }
0x49: {  	_ =	shalt  }
0x4a: {  	_ =	shalt  }
0x4b: {  	_ =	shalt  }
0x4c: {  	_ =	shalt  }
0x4d: {  	_ =	shalt  }
0x4e: {  	_ =	shalt  }
0x4f: {  	_ =	shalt  }
0x50: {  	_ =	shalt  }
0x51: {  	_ =	shalt  }
0x52: {  	_ =	shalt  }
0x53: {  	_ =	shalt  }
0x54: {  	_ =	shalt  }
0x55: {  	_ =	shalt  }
0x56: {  	_ =	shalt  }
0x57: {  	_ =	shalt  }
0x58: {  	_ =	shalt  }
0x59: {  	_ =	shalt  }
0x5a: {  	_ =	shalt  }
0x5b: {  	_ =	shalt  }
0x5c: {  	_ =	shalt  }
0x5d: {  	_ =	shalt  }
0x5e: {  	_ =	shalt  }
0x5f: {  	_ =	shalt  }
0x60: {  	_ =	shalt  }
0x61: {  	_ =	shalt  }
0x62: {  	_ =	shalt  }
0x63: {  	_ =	shalt  }
0x64: {  	_ =	shalt  }
0x65: {  	_ =	shalt  }
0x66: {  	_ =	shalt  }
0x67: {  	_ =	shalt  }
0x68: {  	_ =	shalt  }
0x69: {  	_ =	shalt  }
0x6a: {  	_ =	shalt  }
0x6b: {  	_ =	shalt  }
0x6c: {  	_ =	shalt  }
0x6d: {  	_ =	shalt  }
0x6e: {  	_ =	shalt  }
0x6f: {  	_ =	shalt  }
0x70: {  	_ =	shalt  }
0x71: {  	_ =	shalt  }
0x72: {  	_ =	shalt  }
0x73: {  	_ =	shalt  }
0x74: {  	_ =	shalt  }
0x75: {  	_ =	shalt  }
0x76: {  	_ =	shalt  }
0x77: {  	_ =	shalt  }
0x78: {  	_ =	shalt  }
0x79: {  	_ =	shalt  }
0x7a: {  	_ =	shalt  }
0x7b: {  	_ =	shalt  }
0x7c: {  	_ =	shalt  }
0x7d: {  	_ =	shalt  }
0x7e: {  	_ =	shalt  }
0x7f: {  	_ =	shalt  }
0x80: {  	_ =	shalt  }
0x81: {  	_ =	shalt  }
0x82: {  	_ =	shalt  }
0x83: {  	_ =	shalt  }
0x84: {  	_ =	shalt  }
0x85: {  	_ =	shalt  }
0x86: {  	_ =	shalt  }
0x87: {  	_ =	shalt  }
.Lfunc_end0:
.L_simem_size_0:
called_computation_lowered:
.L_overlay_start_0:
0x88: {  	s2 =	sld [smem:$0x3FD9]  }
0x89: {  	s3 =	sld [smem:$0x3FFE];
	_ =	sdelay $0x1  }
0x8a: {  	s1 =	srdreg.scid  }
0x8b: {  	s0 =	sand.u32 $0x1, s1  }
0x8c: {  	s18 =	sshll.u32 s0, $0xA;
	s2 =	sadd.s32 s3, s2  }
0x8d: {  	s2 =	sadd.s32 s2, s18  }
0x8e: {  	[smem:$0x3FC6] =	sst s2  }
0x8f: {  	_ = 	snop  }
0x90: {  	s2 =	sld [smem:$0x3FC9]  }
0x91: {  	s19 =	sld [smem:$0x3FC8]  }
0x92: {  	s4 =	sld [smem:$0x3FD0];
	(tm) =	ssettm $0x1  }
0x93: {  	s5 =	sld [smem:$0x3FFB];
	_ =	sdelay $0x3  }
0x94: {  	_ =	strace s5  }
0x95: {  	s5 =	sld [smem:$0x3FFC];
	_ =	sdelay $0x3  }
0x96: {  	_ =	strace s5  }
0x97: {  	s5 =	sld [smem:$0x3FFD];
	_ =	sdelay $0x3  }
0x98: {  	_ =	strace s5  }
0x99: {  	_ =	strace $0x8FFFFFFF  }
0x9a: {  	s20 =	sld [smem:$0x3FDB];
	_ =	sdelay $0x1  }
0x9b: {  	s6 =	simm.s32 $_scs_section_size  }
0x9c: {  	s7 =	simm.s32 $_size__tile_overlayer_lowered;
	s8 =	simm.s32 $_tile_overlayer_lowered  }
0x9d: {  	s23 =	simm.s32 $0x1BFF;
	s22 =	sshll.u32 s8, $0x1;
	s5 =	sadd.s32 s6, s20  }
0x9e: {  	s9 =	simm.s32 $0x0;
	s21 =	sshll.u32 s7, $0x1;
	s7 =	sadd.s32 s22, s5  }
0x9f: {  	[timem:s9], [sflag:s23] =	dma.local [hbm:s7], s21  }
0xa0: {  	_ =	swait.ge [sflag:s23], s21  }
0xa1: {  	s6 =	ssub.s32 $0x0, s21;
	[sflag:s23] =	ssyncset.done $0x0  }
0xa2: {  	[sflag:s23] =	ssyncadd.s32 s6;
	_ =	sdelay $0x1  }
0xa3: {  	s24 =	simm.s32 $0x1B8B  }
0xa4: {  	_ =	swait.ge [sflag:s24], $0x1  }
0xa5: {  	[sflag:s24] =	ssyncset.done $0x0  }
0xa6: {  	s25 =	simm.s32 $0x1B8E;
	[sflag:s24] =	ssyncadd.s32 $0xFFFFFFFF  }
0xa7: {  	s26 =	simm.s32 $execute0_lowered;
	[smem:$0x3FD2] =	sst s25  }
0xa8: {  	s6 =	sshll.u32 s26, $0x1;
	_ =	strace $0x80000046;
	[dreg:$0x1] =	wrdreg $0xFFFFFFFF  }
0xa9: {  	s28 =	simm.s32 $_size_execute0_lowered;
	s5 =	sadd.s32 s5, s6;
	[dreg:$0x0] =	wrdreg $0x0  }
0xaa: {  	s6 =	sshll.u32 s28, $0x1;
	[dreg:$0x2] =	wrdreg s5  }
0xab: {  	[dreg:$0x3] =	wrdreg s6  }
0xac: {  	[dreg:$0x4] =	wrdreg $0xC0  }
0xad: {  	_ =	task [dreg:s9], $0x5FFFF  }
0xae: {  	[dreg:$0x1] =	wrdreg $0xFFFFFFFF  }
0xaf: {  	[dreg:$0x0] =	wrdreg $0x60  }
0xb0: {  	[dreg:$0x2] =	wrdreg s2  }
0xb1: {  	[dreg:$0x3] =	wrdreg s19  }
0xb2: {  	[dreg:$0x4] =	wrdreg s4  }
0xb3: {  	[dreg:$0x5] =	wrdreg $0x9  }
0xb4: {  	_ =	task.clear_ibuf [dreg:s9], $0x6FFFF;
	_ =	strace $0x90000046  }
0xb5: {  	s29 =	simm.s32 $0x9;
	_ =	strace $0x80000048  }
0xb6: {  	_ =	swait.ge [sflag:s29], $0x1  }
0xb7: {  	[sflag:s29] =	ssyncadd.s32 $0xFFFFFFFF  }
0xb8: {  	_ =	strace $0x90000048  }
0xb9: {  	_ =	sfence  }
0xba: {  	s30 =	sld [smem:$0x0];
	_ =	sdelay $0x2  }
0xbb: {  	s31 =	sshll.u32 s1, $0xD;
	s1 =	sshrl.u32 s1, $0x2  }
0xbc: {  	s3 =	sand.u32 $0x4000, s31;
	s1 =	sadd.s32 s1, s30  }
0xbd: {  	s0 =	sor.u32 s3, s0;
	s1 =	sshll.u32 s1, $0x11  }
0xbe: {  	s0 =	sor.u32 s1, s0  }
0xbf: {  	s0 =	sadd.s32 $0x8F2B, s0  }
0xc0: {  	[sflag:s0] =	ssyncadd.remote.s32 $0x1  }
0xc1: {  	_ =	sfence.sel $0xFFFF  }
0xc2: {  	[dreg:$0x0] =	wrdreg $0xFFFFFFFF;
	(pc) =	sbr.abs _section_cstart, $3  }
0xc3: {  	[dreg:$0x1] =	wrdreg $0xFFFFFFFF  }
0xc4: {  	_ =	task.clear_ibuf [dreg:s9], $0x2FFFF;
	_ =	strace $0x9FFFFFFF  }
0xc5: {  	(tm) =	ssettm $0x7FFFFFFF  }
tec
execute0_lowered:
.L_overlay_start_1:
0x0: {  	(tag) =	ssettag $0x1  }
0x1: {  	s0 =	rddreg [dreg:$0x0]  }
0x2: {  	s1 =	srdreg.scid;
	s2 =	rddreg [dreg:$0x1]  }
0x3: {  	s10 =	stileid.u32;
	s3 =	rddreg [dreg:$0x2];
	s13 =	simm.s32 $0x80  }
0x4: {  	s14 =	simm.s32 $0x6400;
	s15 =	simm.s32 $0xA400;
	s17 =	simm.s32 $0xE400  }
0x5: {  	s19 =	simm.s32 $0x12400;
	s21 =	simm.s32 $0x16400;
	s22 =	simm.s32 $0x1  }
0x6: {  	s28 =	simm.s32 $0x6;
	s29 =	simm.s32 $0x7;
	s9 =	smul.u32 $0x190, s10  }
0x7: {  	s1 =	sand.u32 $0x1, s1;
	s4 =	sshll.u32 s10, $0x1;
	s10 =	smul.u32 $0xC8000, s10  }
0x8: {  	s30 =	simm.s32 $0x8;
	s5 =	sor.u32 s1, s4;
	s24 =	smul.u32 $0xC8, s1  }
0x9: {  	s4 =	simm.s32 $0x0;
	s7 =	ssub.s32 $0x2, s1;
	s1 =	smul.u32 $0x64000, s1  }
0xa: {  	s31 =	simm.s32 $0x9;
	s6 =	smul.u32 $0xC80, s5;
	[smem:$0x7FF] =	sst s4  }
0xb: {  	s5 =	smul.u32 $0x320000, s5;
	s8 =	sshrl.u32 s7, $0x1;
	_ =	strace $0x80000047  }
0xc: {  	s11 =	ssub.s32 s7, s8;
	s9 =	sadd.s32 s24, s9;
	s1 =	sadd.s32 s1, s10  }
0xd: {  	s24 =	simm.s32 $0x3;
	s23 =	sshrl.u32 s5, $0x3;
	s0 =	sadd.s32 s0, s6  }
0xe: {  	s12 =	sshll.u32 s9, $0xB;
	s11 =	smax.u32 s11, $0x1;
	[dreg:$0x5] =	wrdreg s1  }
0xf: {  	s1 =	simm.s32 $0xA;
	[dreg:$0x6] =	wrdreg s0;
	s25 =	sadd.s32 s3, s23  }
0x10: {  	[dreg:$0x4] =	wrdreg s12;
	s12 =	simm.s32 $0xB;
	s23 =	simm.s32 $0x2  }
0x11: {  	s0 =	simm.s32 $0x0;
	s26 =	sadd.s32 $0x61800, s25;
	s7 =	sadd.s32 $0x62000, s25  }
0x12: {  	s8 =	sadd.s32 $0x62800, s25;
	s9 =	sadd.s32 $0x63000, s25;
	s10 =	sadd.s32 $0x63800, s25  }
0x13: {  	s25 =	simm.s32 $0x4;
	[dreg:$0x7] =	wrdreg s26;
	s26 =	simm.s32 $0x5  }
.LBB2_1:
0x14: {  	s5 =	rddreg [dreg:$0x6]  }
0x15: {  	[tilespmem:s4], [sflag:$0xB] =	stream.linear.gather [hbm4b:s5+s4], $0x6400, $0x38;
	[tilespmem:$0x1A400] =	vst v63  }
0x16: {  	_ =	swait.ge [sflag:s12], $0x6400  }
0x17: {  	[sflag:s12] =	ssyncset.done $0x0  }
0x18: {  	[sflag:s12] =	ssyncadd.s32 $0xFFFF9C00  }
0x19: {  	[tilespmem:s14], [sflag:$0x1] =	stream.indirect.gather [hbm4b:s2+s13], $0x80, s4, s13, $0xb8;
	[tilespmem:$0x1A400] =	vst v63  }
0x1a: {  	_ = 	snop  }
0x1b: {  	[tilespmem:s15], [sflag:$0x2] =	stream.indirect.gather [hbm4b:s2+s13], $0x80, s13, s13, $0xb8;
	[tilespmem:$0x1A400] =	vst v63  }
0x1c: {  	s16 =	simm.s32 $0x100  }
0x1d: {  	[tilespmem:s17], [sflag:$0x3] =	stream.indirect.gather [hbm4b:s2+s13], $0x80, s16, s13, $0xb8;
	[tilespmem:$0x1A400] =	vst v63  }
0x1e: {  	s18 =	simm.s32 $0x180  }
0x1f: {  	[tilespmem:s19], [sflag:$0x4] =	stream.indirect.gather [hbm4b:s2+s13], $0x80, s18, s13, $0xb8;
	[tilespmem:$0x1A400] =	vst v63  }
0x20: {  	s20 =	simm.s32 $0x200  }
0x21: {  	[tilespmem:s21], [sflag:$0x5] =	stream.indirect.gather [hbm4b:s2+s13], $0x80, s20, s13, $0xb8;
	[tilespmem:$0x1A400] =	vst v63  }
0x22: {  	_ =	swait.ge [sflag:s22], $0x4000  }
0x23: {  	s16 =	rddreg [dreg:$0x5];
	[sflag:s22] =	ssyncset.done $0x0  }
0x24: {  	[sflag:s22] =	ssyncadd.s32 $0xFFFFC000;
	s16 =	sadd.s32 s3, s16  }
0x25: {  	[hbm4b:s16+s4] =	stream.linear.scatter [tilespmem:s14], [sflag:$0x6], $0x4000, $0x38;
	[tilespmem:$0x1A400] =	vst v63  }
0x26: {  	_ =	swait.ge [sflag:s23], $0x4000  }
0x27: {  	s5 =	rddreg [dreg:$0x4]  }
0x28: {  	[sflag:s23] =	ssyncset.done $0x0;
	s16 =	sadd.s32 s3, s5  }
0x29: {  	[sflag:s23] =	ssyncadd.s32 $0xFFFFC000;
	s18 =	sadd.s32 $0x800, s16  }
0x2a: {  	[hbm4b:s18+s4] =	stream.linear.scatter [tilespmem:s15], [sflag:$0x7], $0x4000, $0x38;
	[tilespmem:$0x1A400] =	vst v63  }
0x2b: {  	_ =	swait.ge [sflag:s24], $0x4000  }
0x2c: {  	[sflag:s24] =	ssyncset.done $0x0  }
0x2d: {  	s6 =	sadd.s32 $0x1000, s16;
	[sflag:s24] =	ssyncadd.s32 $0xFFFFC000  }
0x2e: {  	[hbm4b:s6+s4] =	stream.linear.scatter [tilespmem:s17], [sflag:$0x8], $0x4000, $0x38;
	[tilespmem:$0x1A400] =	vst v63  }
0x2f: {  	_ =	swait.ge [sflag:s25], $0x4000  }
0x30: {  	[sflag:s25] =	ssyncset.done $0x0  }
0x31: {  	s20 =	sadd.s32 $0x1800, s16;
	[sflag:s25] =	ssyncadd.s32 $0xFFFFC000  }
0x32: {  	[hbm4b:s20+s4] =	stream.linear.scatter [tilespmem:s19], [sflag:$0x9], $0x4000, $0x38;
	[tilespmem:$0x1A400] =	vst v63  }
0x33: {  	_ =	swait.ge [sflag:s26], $0x4000  }
0x34: {  	[sflag:s26] =	ssyncset.done $0x0  }
0x35: {  	s16 =	sadd.s32 $0x2000, s16;
	[sflag:s26] =	ssyncadd.s32 $0xFFFFC000  }
0x36: {  	[hbm4b:s16+s4] =	stream.linear.scatter [tilespmem:s21], [sflag:$0xA], $0x4000, $0x38;
	[tilespmem:$0x1A400] =	vst v63  }
0x37: {  	_ =	swait.ge [sflag:s28], $0x4000  }
0x38: {  	[sflag:s28] =	ssyncset.done $0x0  }
0x39: {  	s5 =	simm.s32 $0x280;
	[sflag:s28] =	ssyncadd.s32 $0xFFFFC000  }
0x3a: {  	[tilespmem:s14], [sflag:$0x1] =	stream.indirect.gather [hbm4b:s2+s13], $0x80, s5, s13, $0xb8;
	[tilespmem:$0x1A400] =	vst v63  }
0x3b: {  	_ =	swait.ge [sflag:s29], $0x4000  }
0x3c: {  	[sflag:s29] =	ssyncset.done $0x0  }
0x3d: {  	s6 =	simm.s32 $0x300;
	[sflag:s29] =	ssyncadd.s32 $0xFFFFC000  }
0x3e: {  	[tilespmem:s15], [sflag:$0x2] =	stream.indirect.gather [hbm4b:s2+s13], $0x80, s6, s13, $0xb8;
	[tilespmem:$0x1A400] =	vst v63  }
0x3f: {  	_ =	swait.ge [sflag:s30], $0x4000  }
0x40: {  	[sflag:s30] =	ssyncset.done $0x0  }
0x41: {  	s18 =	simm.s32 $0x380;
	[sflag:s30] =	ssyncadd.s32 $0xFFFFC000  }
0x42: {  	[tilespmem:s17], [sflag:$0x3] =	stream.indirect.gather [hbm4b:s2+s13], $0x80, s18, s13, $0xb8;
	[tilespmem:$0x1A400] =	vst v63  }
0x43: {  	_ =	swait.ge [sflag:s31], $0x4000  }
0x44: {  	[sflag:s31] =	ssyncset.done $0x0  }
0x45: {  	s20 =	simm.s32 $0x400;
	[sflag:s31] =	ssyncadd.s32 $0xFFFFC000  }
0x46: {  	[tilespmem:s19], [sflag:$0x4] =	stream.indirect.gather [hbm4b:s2+s13], $0x80, s20, s13, $0xb8;
	[tilespmem:$0x1A400] =	vst v63  }
0x47: {  	_ =	swait.ge [sflag:s1], $0x4000  }
0x48: {  	s16 =	simm.s32 $0xA00;
	[sflag:s1] =	ssyncset.done $0x0  }
0x49: {  	s18 =	sadd.s32 $0x2800, s3;
	s20 =	simm.s32 $0x480;
	[sflag:s1] =	ssyncadd.s32 $0xFFFFC000  }
.LBB2_2:
0x4a: {  	[tilespmem:s21], [sflag:$0x5] =	stream.indirect.gather [hbm4b:s2+s13], $0x80, s20, s13, $0xb8;
	[tilespmem:$0x1A400] =	vst v63  }
0x4b: {  	_ =	swait.ge [sflag:s22], $0x4000  }
0x4c: {  	s5 =	rddreg [dreg:$0x5];
	[sflag:s22] =	ssyncset.done $0x0  }
0x4d: {  	[sflag:s22] =	ssyncadd.s32 $0xFFFFC000;
	s5 =	sadd.s32 s18, s5  }
0x4e: {  	[hbm4b:s5+s4] =	stream.linear.scatter [tilespmem:s14], [sflag:$0x6], $0x4000, $0x38;
	[tilespmem:$0x1A400] =	vst v63  }
0x4f: {  	_ =	swait.ge [sflag:s23], $0x4000  }
0x50: {  	s6 =	rddreg [dreg:$0x4]  }
0x51: {  	[sflag:s23] =	ssyncset.done $0x0;
	s5 =	sadd.s32 s18, s6  }
0x52: {  	[sflag:s23] =	ssyncadd.s32 $0xFFFFC000;
	s6 =	sadd.s32 $0x800, s5  }
0x53: {  	[hbm4b:s6+s4] =	stream.linear.scatter [tilespmem:s15], [sflag:$0x7], $0x4000, $0x38;
	[tilespmem:$0x1A400] =	vst v63  }
0x54: {  	_ =	swait.ge [sflag:s24], $0x4000  }
0x55: {  	[sflag:s24] =	ssyncset.done $0x0  }
0x56: {  	s6 =	sadd.s32 $0x1000, s5;
	[sflag:s24] =	ssyncadd.s32 $0xFFFFC000  }
0x57: {  	[hbm4b:s6+s4] =	stream.linear.scatter [tilespmem:s17], [sflag:$0x8], $0x4000, $0x38;
	[tilespmem:$0x1A400] =	vst v63  }
0x58: {  	_ =	swait.ge [sflag:s25], $0x4000  }
0x59: {  	[sflag:s25] =	ssyncset.done $0x0  }
0x5a: {  	s6 =	sadd.s32 $0x1800, s5;
	[sflag:s25] =	ssyncadd.s32 $0xFFFFC000  }
0x5b: {  	[hbm4b:s6+s4] =	stream.linear.scatter [tilespmem:s19], [sflag:$0x9], $0x4000, $0x38;
	[tilespmem:$0x1A400] =	vst v63  }
0x5c: {  	_ =	swait.ge [sflag:s26], $0x4000  }
0x5d: {  	[sflag:s26] =	ssyncset.done $0x0  }
0x5e: {  	s5 =	sadd.s32 $0x2000, s5;
	[sflag:s26] =	ssyncadd.s32 $0xFFFFC000  }
0x5f: {  	[hbm4b:s5+s4] =	stream.linear.scatter [tilespmem:s21], [sflag:$0xA], $0x4000, $0x38;
	[tilespmem:$0x1A400] =	vst v63  }
0x60: {  	s20 =	smov.u32 s16;
	_ =	swait.ge [sflag:s28], $0x4000  }
0x61: {  	s5 =	sshra.s32 s20, $0x2;
	[sflag:s28] =	ssyncset.done $0x0  }
0x62: {  	s20 =	sadd.s32 $0x280, s5;
	[sflag:s28] =	ssyncadd.s32 $0xFFFFC000  }
0x63: {  	[tilespmem:s14], [sflag:$0x1] =	stream.indirect.gather [hbm4b:s2+s13], $0x80, s20, s13, $0xb8;
	[tilespmem:$0x1A400] =	vst v63  }
0x64: {  	_ =	swait.ge [sflag:s29], $0x4000  }
0x65: {  	[sflag:s29] =	ssyncset.done $0x0  }
0x66: {  	s20 =	sadd.s32 $0x300, s5;
	[sflag:s29] =	ssyncadd.s32 $0xFFFFC000  }
0x67: {  	[tilespmem:s15], [sflag:$0x2] =	stream.indirect.gather [hbm4b:s2+s13], $0x80, s20, s13, $0xb8;
	[tilespmem:$0x1A400] =	vst v63  }
0x68: {  	_ =	swait.ge [sflag:s30], $0x4000  }
0x69: {  	[sflag:s30] =	ssyncset.done $0x0  }
0x6a: {  	s20 =	sadd.s32 $0x380, s5;
	[sflag:s30] =	ssyncadd.s32 $0xFFFFC000  }
0x6b: {  	[tilespmem:s17], [sflag:$0x3] =	stream.indirect.gather [hbm4b:s2+s13], $0x80, s20, s13, $0xb8;
	[tilespmem:$0x1A400] =	vst v63  }
0x6c: {  	_ =	swait.ge [sflag:s31], $0x4000  }
0x6d: {  	p0 =	sne.s32 s16, $0x17C00;
	[sflag:s31] =	ssyncset.done $0x0  }
.Ltmp0:
0x6e: {  	s20 =	sadd.s32 $0x400, s5;
	[sflag:s31] =	ssyncadd.s32 $0xFFFFC000;
	(pc) =	sbr.rel @p0 .LBB2_2-.Ltmp0, $4  }
0x6f: {  	[tilespmem:s19], [sflag:$0x4] =	stream.indirect.gather [hbm4b:s2+s13], $0x80, s20, s13, $0xb8;
	[tilespmem:$0x1A400] =	vst v63  }
0x70: {  	_ =	swait.ge [sflag:s1], $0x4000  }
0x71: {  	s16 =	sadd.s32 $0xA00, s16;
	[sflag:s1] =	ssyncset.done $0x0  }
0x72: {  	s18 =	sadd.s32 $0x2800, s18;
	s20 =	sadd.s32 $0x480, s5;
	[sflag:s1] =	ssyncadd.s32 $0xFFFFC000  }
0x73: {  	[tilespmem:s21], [sflag:$0x5] =	stream.indirect.gather [hbm4b:s2+s13], $0x80, s20, s13, $0xb8;
	[tilespmem:$0x1A400] =	vst v63  }
0x74: {  	_ =	swait.ge [sflag:s22], $0x4000  }
0x75: {  	[sflag:s22] =	ssyncset.done $0x0  }
0x76: {  	s5 =	rddreg [dreg:$0x7];
	[sflag:s22] =	ssyncadd.s32 $0xFFFFC000  }
0x77: {  	[hbm4b:s5+s4] =	stream.linear.scatter [tilespmem:s14], [sflag:$0x6], $0x4000, $0x38;
	[tilespmem:$0x1A400] =	vst v63  }
0x78: {  	_ =	swait.ge [sflag:s23], $0x4000  }
0x79: {  	[sflag:s23] =	ssyncset.done $0x0  }
0x7a: {  	[sflag:s23] =	ssyncadd.s32 $0xFFFFC000  }
0x7b: {  	[hbm4b:s7+s4] =	stream.linear.scatter [tilespmem:s15], [sflag:$0x7], $0x4000, $0x38;
	[tilespmem:$0x1A400] =	vst v63  }
0x7c: {  	_ =	swait.ge [sflag:s24], $0x4000  }
0x7d: {  	[sflag:s24] =	ssyncset.done $0x0  }
0x7e: {  	[sflag:s24] =	ssyncadd.s32 $0xFFFFC000  }
0x7f: {  	[hbm4b:s8+s4] =	stream.linear.scatter [tilespmem:s17], [sflag:$0x8], $0x4000, $0x38;
	[tilespmem:$0x1A400] =	vst v63  }
0x80: {  	_ =	swait.ge [sflag:s25], $0x4000  }
0x81: {  	[sflag:s25] =	ssyncset.done $0x0  }
0x82: {  	[sflag:s25] =	ssyncadd.s32 $0xFFFFC000  }
0x83: {  	[hbm4b:s9+s4] =	stream.linear.scatter [tilespmem:s19], [sflag:$0x9], $0x4000, $0x38;
	[tilespmem:$0x1A400] =	vst v63  }
0x84: {  	_ =	swait.ge [sflag:s26], $0x4000  }
0x85: {  	[sflag:s26] =	ssyncset.done $0x0  }
0x86: {  	[sflag:s26] =	ssyncadd.s32 $0xFFFFC000  }
0x87: {  	[hbm4b:s10+s4] =	stream.linear.scatter [tilespmem:s21], [sflag:$0xA], $0x4000, $0x38;
	[tilespmem:$0x1A400] =	vst v63  }
0x88: {  	_ =	swait.ge [sflag:s28], $0x4000  }
0x89: {  	[sflag:s28] =	ssyncset.done $0x0  }
0x8a: {  	[sflag:s28] =	ssyncadd.s32 $0xFFFFC000  }
0x8b: {  	_ =	swait.ge [sflag:s29], $0x4000  }
0x8c: {  	[sflag:s29] =	ssyncset.done $0x0  }
0x8d: {  	[sflag:s29] =	ssyncadd.s32 $0xFFFFC000  }
0x8e: {  	_ =	swait.ge [sflag:s30], $0x4000  }
0x8f: {  	[sflag:s30] =	ssyncset.done $0x0  }
0x90: {  	s0 =	sadd.s32 $0x1, s0;
	[sflag:s30] =	ssyncadd.s32 $0xFFFFC000  }
0x91: {  	p0 =	sne.s32 s0, s11;
	_ =	swait.ge [sflag:s31], $0x4000  }
.Ltmp1:
0x92: {  	[sflag:s31] =	ssyncset.done $0x0;
	(pc) =	sbr.rel @p0 .LBB2_1-.Ltmp1, $4  }
0x93: {  	[sflag:s31] =	ssyncadd.s32 $0xFFFFC000  }
0x94: {  	_ =	swait.ge [sflag:s1], $0x4000  }
0x95: {  	[sflag:s1] =	ssyncset.done $0x0  }
0x96: {  	[sflag:s1] =	ssyncadd.s32 $0xFFFFC000  }
0x97: {  	_ =	sfence.sel $0x180000  }
0x98: {  	[bflag:$0x0] =	sbarrier.arrive $0xFFFF  }
0x99: {  	_ =	strace $0x90000047  }
0x9a: {  	s0 =	stileid.u32;
	[bflag:$0x2] =	sbarrier.arrive $0xFFFF  }
0x9b: {  	p0 =	sne.s32 s0, $0x0;
	s0 =	rddreg [dreg:$0x3]  }
0x9c: {  	s0 =	sadd.s32 @!p0 $0x100000, s0  }
0x9d: {  	[sflag:s0] =	ssyncadd.tile.s32 @!p0 $0x1;
	_ =	shalt  }
.Lfunc_end2:
_tile_overlayer_lowered:
.L_overlay_start_2:
0x9e: {  	(tag) =	ssettag $0x2  }
0x9f: {  	s0 =	rddreg [dreg:$0x0];
	s2 =	stileid.u32  }
0xa0: {  	s1 =	rddreg [dreg:$0x1];
	p0 =	sne.s32 s2, $0x0  }
0xa1: {  	s3 =	rddreg [dreg:$0x2];
	[bflag:$0x3] =	sbarrier.arrive $0xFFFF;
	s2 =	simm.s32 @!p0 $0x1C0B  }
0xa2: {  	[timem:s3], [sflag:s2] =	dma.local @!p0 [hbm:s0], s1  }
0xa3: {  	s0 =	simm.s32 @!p0 $0xB  }
0xa4: {  	_ =	swait.ge @!p0 [sflag:s0], s1  }
0xa5: {  	s1 =	ssub.s32 @!p0 $0x0, s1;
	[sflag:s0] =	ssyncset.done @!p0 $0x0  }
0xa6: {  	[sflag:s0] =	ssyncadd.s32 @!p0 s1  }
0xa7: {  	[bflag:$0x3] =	sbarrier.arrive $0xFFFF  }
0xa8: {  	_ =	shalt  }

</sc_bundles>
